<compile_context>
chip_gen: v7x
topology: tpu7x:2x2x1
jax: 0.10.2.dev20260603
libtpu: 0.0.44.dev20260713+nightly
codegen_flags: <defaults>
</compile_context>

<pallas_src>
import functools
import math

import jax
import jax.numpy as jnp
from jax import lax
from jax.experimental import pallas as pl
from jax.experimental.pallas import tpu as pltpu
from jax.experimental.pallas import tpu_sc as plsc

N = 2048
H = 16
NBUCKETS = 32
MAX_DISTANCE = 128
NV = 16
NS = 8
LW = 4480
LEXT = 4736

_PANELS_PER_TILE = (N // NS) // 32


def _prep_body(table_t_ref, out_ref, acc_ref):
    v = pl.program_id(0)

    @pl.when(v == 0)
    def _compute_line():
        u = lax.broadcasted_iota(jnp.int32, (1, LEXT), 1)
        nv_ = (N - 1) - u
        neg = jnp.where(nv_ < 0, NBUCKETS // 2, 0)
        a = jnp.abs(nv_)
        small = a < (NBUCKETS // 4)
        safe = jnp.maximum(a, 1).astype(jnp.float32)
        t = jnp.log(safe / (NBUCKETS // 4))
        t = t / math.log(MAX_DISTANCE / (NBUCKETS // 4))
        t = t * (NBUCKETS // 2 - NBUCKETS // 4)
        large = (NBUCKETS // 4) + t.astype(jnp.int32)
        large = jnp.minimum(large, NBUCKETS // 2 - 1)
        bucket = neg + jnp.where(small, a, large)

        acc = jnp.zeros((H, LEXT), jnp.float32)
        for b in range(NBUCKETS):
            m = (bucket == b).astype(jnp.float32)
            acc = acc + table_t_ref[:, b:b + 1] * m
        acc_ref[...] = acc

    for vv in range(NV):
        @pl.when(v == vv)
        def _emit(vv=vv):
            for s in range(NS):
                off = 8 * vv + 7 - s
                out_ref[0, :, s, :] = acc_ref[:, off:off + LW]


def _prep(table_t):
    return pl.pallas_call(
        _prep_body,
        grid=(NV,),
        in_specs=[pl.BlockSpec((H, NBUCKETS), lambda v: (0, 0))],
        out_specs=pl.BlockSpec((1, H, NS, LW), lambda v: (v, 0, 0, 0)),
        out_shape=jax.ShapeDtypeStruct((NV, H, NS, LW), jnp.float32),
        scratch_shapes=[pltpu.VMEM((H, LEXT), jnp.float32)],
        compiler_params=pltpu.CompilerParams(
            dimension_semantics=("arbitrary",)),
    )(table_t)


_mesh = plsc.VectorSubcoreMesh(core_axis_name="c", subcore_axis_name="s")


@functools.partial(
    pl.kernel,
    out_type=jax.ShapeDtypeStruct((H, N, N), jnp.float32),
    mesh=_mesh,
    scratch_types=[pltpu.SemaphoreType.DMA],
    compiler_params=pltpu.CompilerParams(use_tc_tiling_on_sc=True),
)
def _expand(skew_hbm, out_hbm, sem):
    cid = lax.axis_index("c")
    sid = lax.axis_index("s")
    w = cid * 16 + sid

    copies = []
    for p in range(_PANELS_PER_TILE):
        it = w * _PANELS_PER_TILE + p
        v = jnp.bitwise_and(255 - it, NV - 1)
        q = pl.multiple_of(2040 - 8 * it - 8 * v, 128)
        row0 = pl.multiple_of(8 * it, 8)
        copies.append(pltpu.async_copy(
            skew_hbm.at[v, :, :, pl.ds(q, N)],
            out_hbm.at[:, pl.ds(row0, NS), :],
            sem,
        ))
    for cp in copies:
        cp.wait()


def kernel(n, relative_attention_bias):
    del n
    table_t = relative_attention_bias.T.astype(jnp.float32)
    skew = _prep(table_t)
    return _expand(skew)

# --- scband reference (transcript-rebuilt; emitter-appended) ---
"""Pipeline reference for scband-relative-position-bias-5669356831698 (READ-ONLY COPY).

The authoritative reference and input builder live on the scoring server;
editing this copy changes nothing except your own understanding.
"""

import jax, jax.numpy as jnp
import numpy as np
import math

NUM_BUCKETS = 32
MAX_DISTANCE = 128
HEADS = 16


def _relative_position_bucket(relative_position, num_buckets=NUM_BUCKETS, max_distance=MAX_DISTANCE):
    ret = 0
    n = -relative_position
    num_buckets = num_buckets // 2
    ret = ret + (n < 0).astype(jnp.int64) * num_buckets
    n = jnp.abs(n)
    max_exact = num_buckets // 2
    is_small = n < max_exact
    # guard log(0): value is masked out by is_small branch anyway
    safe_n = jnp.maximum(n, 1)
    val_if_large = max_exact + (jnp.log(safe_n.astype(jnp.float32) / max_exact) / math.log(max_distance / max_exact) * (num_buckets - max_exact)).astype(jnp.int64)
    val_if_large = jnp.minimum(val_if_large, jnp.full_like(val_if_large, num_buckets - 1))
    ret = ret + jnp.where(is_small, n, val_if_large)
    return ret


def setup_inputs(seed: int = 0) -> dict:
    key = jax.random.key(seed)
    n = 2048
    # learned embedding table: [num_buckets, heads]
    relative_attention_bias = jax.random.normal(jax.random.fold_in(key, 1), (NUM_BUCKETS, HEADS), dtype=jnp.float32)
    return {"n": n, "relative_attention_bias": relative_attention_bias}


def reference(n, relative_attention_bias):
    n_zero = (jnp.asarray(n) * 0).astype(jnp.int64)
    q_pos = jnp.arange(2048, dtype=jnp.int64) + n_zero
    k_pos = jnp.arange(2048, dtype=jnp.int64) + n_zero
    rel_pos = k_pos[None, :] - q_pos[:, None]  # [n, n]
    rp_bucket = _relative_position_bucket(rel_pos, num_buckets=NUM_BUCKETS, max_distance=MAX_DISTANCE)
    # embedding lookup: gather rows of the table by bucket id -> [n, n, heads]
    values = jnp.take(relative_attention_bias, rp_bucket, axis=0)
    # rearrange 'i j h -> h i j'
    return jnp.transpose(values, (2, 0, 1))

if __name__ == "__main__":
    import jax
    _d = setup_inputs()
    print(jax.jit(kernel)(*tuple(_d.values())))

</pallas_src>

<mosaic_0001>
#map = affine_map<(d0, d1) -> (0, 0, 0, 0)>
#map1 = affine_map<(d0, d1) -> (0, 0, 0)>
module attributes {stable_mosaic.version = 14 : i64} {
  func.func @_expand(%arg0: i32, %arg1: i32, %arg2: memref<16x16x8x4480xf32, #tpu.memory_space<hbm>>, %arg3: memref<16x2048x2048xf32, #tpu.memory_space<hbm>>, %arg4: memref<!tpu.dma_semaphore, #tpu.memory_space<semaphore_mem>>) attributes {dimension_semantics = [#tpu.dimension_semantics<core_parallel>, #tpu.dimension_semantics<subcore_parallel>], iteration_bounds = array<i64: 2, 16>, scalar_prefetch = 0 : i64, scratch_operands = 1 : i64, tpu.core_type = #tpu.core_type<sc_vector_subcore>, window_params = [{transform_indices = #map}, {transform_indices = #map1}]} {
    %mul3A = arith.constant 16 : i32
    %mul3A_0 = arith.muli %arg0, %mul3A : i32
    %add3A = arith.addi %mul3A_0, %arg1 : i32
    %mul3A_1 = arith.constant 8 : i32
    %mul3A_2 = arith.muli %add3A, %mul3A_1 : i32
    %add3A_3 = arith.constant 0 : i32
    %add3A_4 = arith.addi %mul3A_2, %add3A_3 : i32
    %sub3A = arith.constant 255 : i32
    %sub3A_5 = arith.subi %sub3A, %add3A_4 : i32
    %and3A = arith.constant 15 : i32
    %and3A_6 = arith.andi %sub3A_5, %and3A : i32
    %mul3A_7 = arith.constant 8 : i32
    %mul3A_8 = arith.muli %mul3A_7, %add3A_4 : i32
    %sub3A_9 = arith.constant 2040 : i32
    %sub3A_10 = arith.subi %sub3A_9, %mul3A_8 : i32
    %mul3A_11 = arith.constant 8 : i32
    %mul3A_12 = arith.muli %mul3A_11, %and3A_6 : i32
    %sub3A_13 = arith.subi %sub3A_10, %mul3A_12 : i32
    %multiple_of3A = tpu.assume_multiple %sub3A_13, 128 : i32
    %mul3A_14 = arith.constant 8 : i32
    %mul3A_15 = arith.muli %mul3A_14, %add3A_4 : i32
    %multiple_of3A_16 = tpu.assume_multiple %mul3A_15, 8 : i32
    %dma_start3A = arith.constant 0 : i32
    %dma_start3A_17 = arith.constant 0 : i32
    %dma_start3A_18 = tpu.memref_slice %arg3[%dma_start3A, %multiple_of3A_16, %dma_start3A_17] : memref<16x2048x2048xf32, #tpu.memory_space<hbm>> -> memref<16x8x2048xf32, #tpu.memory_space<hbm>>
    %dma_start3A_19 = arith.constant 0 : i32
    %dma_start3A_20 = arith.constant 0 : i32
    %dma_start3A_21 = tpu.memref_slice %arg2[%and3A_6, %dma_start3A_19, %dma_start3A_20, %multiple_of3A] : memref<16x16x8x4480xf32, #tpu.memory_space<hbm>> -> memref<1x16x8x2048xf32, #tpu.memory_space<hbm>>
    %dma_start3A_22 = tpu.memref_squeeze %dma_start3A_21 : memref<1x16x8x2048xf32, #tpu.memory_space<hbm>> -> memref<16x8x2048xf32, #tpu.memory_space<hbm>>
    tpu.enqueue_dma source(%dma_start3A_22 : memref<16x8x2048xf32, #tpu.memory_space<hbm>>) target(%dma_start3A_18 : memref<16x8x2048xf32, #tpu.memory_space<hbm>>) target_semaphore(%arg4 : memref<!tpu.dma_semaphore, #tpu.memory_space<semaphore_mem>>)
    %mul3A_23 = arith.constant 8 : i32
    %mul3A_24 = arith.muli %add3A, %mul3A_23 : i32
    %add3A_25 = arith.constant 1 : i32
    %add3A_26 = arith.addi %mul3A_24, %add3A_25 : i32
    %sub3A_27 = arith.constant 255 : i32
    %sub3A_28 = arith.subi %sub3A_27, %add3A_26 : i32
    %and3A_29 = arith.constant 15 : i32
    %and3A_30 = arith.andi %sub3A_28, %and3A_29 : i32
    %mul3A_31 = arith.constant 8 : i32
    %mul3A_32 = arith.muli %mul3A_31, %add3A_26 : i32
    %sub3A_33 = arith.constant 2040 : i32
    %sub3A_34 = arith.subi %sub3A_33, %mul3A_32 : i32
    %mul3A_35 = arith.constant 8 : i32
    %mul3A_36 = arith.muli %mul3A_35, %and3A_30 : i32
    %sub3A_37 = arith.subi %sub3A_34, %mul3A_36 : i32
    %multiple_of3A_38 = tpu.assume_multiple %sub3A_37, 128 : i32
    %mul3A_39 = arith.constant 8 : i32
    %mul3A_40 = arith.muli %mul3A_39, %add3A_26 : i32
    %multiple_of3A_41 = tpu.assume_multiple %mul3A_40, 8 : i32
    %dma_start3A_42 = arith.constant 0 : i32
    %dma_start3A_43 = arith.constant 0 : i32
    %dma_start3A_44 = tpu.memref_slice %arg3[%dma_start3A_42, %multiple_of3A_41, %dma_start3A_43] : memref<16x2048x2048xf32, #tpu.memory_space<hbm>> -> memref<16x8x2048xf32, #tpu.memory_space<hbm>>
    %dma_start3A_45 = arith.constant 0 : i32
    %dma_start3A_46 = arith.constant 0 : i32
    %dma_start3A_47 = tpu.memref_slice %arg2[%and3A_30, %dma_start3A_45, %dma_start3A_46, %multiple_of3A_38] : memref<16x16x8x4480xf32, #tpu.memory_space<hbm>> -> memref<1x16x8x2048xf32, #tpu.memory_space<hbm>>
    %dma_start3A_48 = tpu.memref_squeeze %dma_start3A_47 : memref<1x16x8x2048xf32, #tpu.memory_space<hbm>> -> memref<16x8x2048xf32, #tpu.memory_space<hbm>>
    tpu.enqueue_dma source(%dma_start3A_48 : memref<16x8x2048xf32, #tpu.memory_space<hbm>>) target(%dma_start3A_44 : memref<16x8x2048xf32, #tpu.memory_space<hbm>>) target_semaphore(%arg4 : memref<!tpu.dma_semaphore, #tpu.memory_space<semaphore_mem>>)
    %mul3A_49 = arith.constant 8 : i32
    %mul3A_50 = arith.muli %add3A, %mul3A_49 : i32
    %add3A_51 = arith.constant 2 : i32
    %add3A_52 = arith.addi %mul3A_50, %add3A_51 : i32
    %sub3A_53 = arith.constant 255 : i32
    %sub3A_54 = arith.subi %sub3A_53, %add3A_52 : i32
    %and3A_55 = arith.constant 15 : i32
    %and3A_56 = arith.andi %sub3A_54, %and3A_55 : i32
    %mul3A_57 = arith.constant 8 : i32
    %mul3A_58 = arith.muli %mul3A_57, %add3A_52 : i32
    %sub3A_59 = arith.constant 2040 : i32
    %sub3A_60 = arith.subi %sub3A_59, %mul3A_58 : i32
    %mul3A_61 = arith.constant 8 : i32
    %mul3A_62 = arith.muli %mul3A_61, %and3A_56 : i32
    %sub3A_63 = arith.subi %sub3A_60, %mul3A_62 : i32
    %multiple_of3A_64 = tpu.assume_multiple %sub3A_63, 128 : i32
    %mul3A_65 = arith.constant 8 : i32
    %mul3A_66 = arith.muli %mul3A_65, %add3A_52 : i32
    %multiple_of3A_67 = tpu.assume_multiple %mul3A_66, 8 : i32
    %dma_start3A_68 = arith.constant 0 : i32
    %dma_start3A_69 = arith.constant 0 : i32
    %dma_start3A_70 = tpu.memref_slice %arg3[%dma_start3A_68, %multiple_of3A_67, %dma_start3A_69] : memref<16x2048x2048xf32, #tpu.memory_space<hbm>> -> memref<16x8x2048xf32, #tpu.memory_space<hbm>>
    %dma_start3A_71 = arith.constant 0 : i32
    %dma_start3A_72 = arith.constant 0 : i32
    %dma_start3A_73 = tpu.memref_slice %arg2[%and3A_56, %dma_start3A_71, %dma_start3A_72, %multiple_of3A_64] : memref<16x16x8x4480xf32, #tpu.memory_space<hbm>> -> memref<1x16x8x2048xf32, #tpu.memory_space<hbm>>
    %dma_start3A_74 = tpu.memref_squeeze %dma_start3A_73 : memref<1x16x8x2048xf32, #tpu.memory_space<hbm>> -> memref<16x8x2048xf32, #tpu.memory_space<hbm>>
    tpu.enqueue_dma source(%dma_start3A_74 : memref<16x8x2048xf32, #tpu.memory_space<hbm>>) target(%dma_start3A_70 : memref<16x8x2048xf32, #tpu.memory_space<hbm>>) target_semaphore(%arg4 : memref<!tpu.dma_semaphore, #tpu.memory_space<semaphore_mem>>)
    %mul3A_75 = arith.constant 8 : i32
    %mul3A_76 = arith.muli %add3A, %mul3A_75 : i32
    %add3A_77 = arith.constant 3 : i32
    %add3A_78 = arith.addi %mul3A_76, %add3A_77 : i32
    %sub3A_79 = arith.constant 255 : i32
    %sub3A_80 = arith.subi %sub3A_79, %add3A_78 : i32
    %and3A_81 = arith.constant 15 : i32
    %and3A_82 = arith.andi %sub3A_80, %and3A_81 : i32
    %mul3A_83 = arith.constant 8 : i32
    %mul3A_84 = arith.muli %mul3A_83, %add3A_78 : i32
    %sub3A_85 = arith.constant 2040 : i32
    %sub3A_86 = arith.subi %sub3A_85, %mul3A_84 : i32
    %mul3A_87 = arith.constant 8 : i32
    %mul3A_88 = arith.muli %mul3A_87, %and3A_82 : i32
    %sub3A_89 = arith.subi %sub3A_86, %mul3A_88 : i32
    %multiple_of3A_90 = tpu.assume_multiple %sub3A_89, 128 : i32
    %mul3A_91 = arith.constant 8 : i32
    %mul3A_92 = arith.muli %mul3A_91, %add3A_78 : i32
    %multiple_of3A_93 = tpu.assume_multiple %mul3A_92, 8 : i32
    %dma_start3A_94 = arith.constant 0 : i32
    %dma_start3A_95 = arith.constant 0 : i32
    %dma_start3A_96 = tpu.memref_slice %arg3[%dma_start3A_94, %multiple_of3A_93, %dma_start3A_95] : memref<16x2048x2048xf32, #tpu.memory_space<hbm>> -> memref<16x8x2048xf32, #tpu.memory_space<hbm>>
    %dma_start3A_97 = arith.constant 0 : i32
    %dma_start3A_98 = arith.constant 0 : i32
    %dma_start3A_99 = tpu.memref_slice %arg2[%and3A_82, %dma_start3A_97, %dma_start3A_98, %multiple_of3A_90] : memref<16x16x8x4480xf32, #tpu.memory_space<hbm>> -> memref<1x16x8x2048xf32, #tpu.memory_space<hbm>>
    %dma_start3A_100 = tpu.memref_squeeze %dma_start3A_99 : memref<1x16x8x2048xf32, #tpu.memory_space<hbm>> -> memref<16x8x2048xf32, #tpu.memory_space<hbm>>
    tpu.enqueue_dma source(%dma_start3A_100 : memref<16x8x2048xf32, #tpu.memory_space<hbm>>) target(%dma_start3A_96 : memref<16x8x2048xf32, #tpu.memory_space<hbm>>) target_semaphore(%arg4 : memref<!tpu.dma_semaphore, #tpu.memory_space<semaphore_mem>>)
    %mul3A_101 = arith.constant 8 : i32
    %mul3A_102 = arith.muli %add3A, %mul3A_101 : i32
    %add3A_103 = arith.constant 4 : i32
    %add3A_104 = arith.addi %mul3A_102, %add3A_103 : i32
    %sub3A_105 = arith.constant 255 : i32
    %sub3A_106 = arith.subi %sub3A_105, %add3A_104 : i32
    %and3A_107 = arith.constant 15 : i32
    %and3A_108 = arith.andi %sub3A_106, %and3A_107 : i32
    %mul3A_109 = arith.constant 8 : i32
    %mul3A_110 = arith.muli %mul3A_109, %add3A_104 : i32
    %sub3A_111 = arith.constant 2040 : i32
    %sub3A_112 = arith.subi %sub3A_111, %mul3A_110 : i32
    %mul3A_113 = arith.constant 8 : i32
    %mul3A_114 = arith.muli %mul3A_113, %and3A_108 : i32
    %sub3A_115 = arith.subi %sub3A_112, %mul3A_114 : i32
    %multiple_of3A_116 = tpu.assume_multiple %sub3A_115, 128 : i32
    %mul3A_117 = arith.constant 8 : i32
    %mul3A_118 = arith.muli %mul3A_117, %add3A_104 : i32
    %multiple_of3A_119 = tpu.assume_multiple %mul3A_118, 8 : i32
    %dma_start3A_120 = arith.constant 0 : i32
    %dma_start3A_121 = arith.constant 0 : i32
    %dma_start3A_122 = tpu.memref_slice %arg3[%dma_start3A_120, %multiple_of3A_119, %dma_start3A_121] : memref<16x2048x2048xf32, #tpu.memory_space<hbm>> -> memref<16x8x2048xf32, #tpu.memory_space<hbm>>
    %dma_start3A_123 = arith.constant 0 : i32
    %dma_start3A_124 = arith.constant 0 : i32
    %dma_start3A_125 = tpu.memref_slice %arg2[%and3A_108, %dma_start3A_123, %dma_start3A_124, %multiple_of3A_116] : memref<16x16x8x4480xf32, #tpu.memory_space<hbm>> -> memref<1x16x8x2048xf32, #tpu.memory_space<hbm>>
    %dma_start3A_126 = tpu.memref_squeeze %dma_start3A_125 : memref<1x16x8x2048xf32, #tpu.memory_space<hbm>> -> memref<16x8x2048xf32, #tpu.memory_space<hbm>>
    tpu.enqueue_dma source(%dma_start3A_126 : memref<16x8x2048xf32, #tpu.memory_space<hbm>>) target(%dma_start3A_122 : memref<16x8x2048xf32, #tpu.memory_space<hbm>>) target_semaphore(%arg4 : memref<!tpu.dma_semaphore, #tpu.memory_space<semaphore_mem>>)
    %mul3A_127 = arith.constant 8 : i32
    %mul3A_128 = arith.muli %add3A, %mul3A_127 : i32
    %add3A_129 = arith.constant 5 : i32
    %add3A_130 = arith.addi %mul3A_128, %add3A_129 : i32
    %sub3A_131 = arith.constant 255 : i32
    %sub3A_132 = arith.subi %sub3A_131, %add3A_130 : i32
    %and3A_133 = arith.constant 15 : i32
    %and3A_134 = arith.andi %sub3A_132, %and3A_133 : i32
    %mul3A_135 = arith.constant 8 : i32
    %mul3A_136 = arith.muli %mul3A_135, %add3A_130 : i32
    %sub3A_137 = arith.constant 2040 : i32
    %sub3A_138 = arith.subi %sub3A_137, %mul3A_136 : i32
    %mul3A_139 = arith.constant 8 : i32
    %mul3A_140 = arith.muli %mul3A_139, %and3A_134 : i32
    %sub3A_141 = arith.subi %sub3A_138, %mul3A_140 : i32
    %multiple_of3A_142 = tpu.assume_multiple %sub3A_141, 128 : i32
    %mul3A_143 = arith.constant 8 : i32
    %mul3A_144 = arith.muli %mul3A_143, %add3A_130 : i32
    %multiple_of3A_145 = tpu.assume_multiple %mul3A_144, 8 : i32
    %dma_start3A_146 = arith.constant 0 : i32
    %dma_start3A_147 = arith.constant 0 : i32
    %dma_start3A_148 = tpu.memref_slice %arg3[%dma_start3A_146, %multiple_of3A_145, %dma_start3A_147] : memref<16x2048x2048xf32, #tpu.memory_space<hbm>> -> memref<16x8x2048xf32, #tpu.memory_space<hbm>>
    %dma_start3A_149 = arith.constant 0 : i32
    %dma_start3A_150 = arith.constant 0 : i32
    %dma_start3A_151 = tpu.memref_slice %arg2[%and3A_134, %dma_start3A_149, %dma_start3A_150, %multiple_of3A_142] : memref<16x16x8x4480xf32, #tpu.memory_space<hbm>> -> memref<1x16x8x2048xf32, #tpu.memory_space<hbm>>
    %dma_start3A_152 = tpu.memref_squeeze %dma_start3A_151 : memref<1x16x8x2048xf32, #tpu.memory_space<hbm>> -> memref<16x8x2048xf32, #tpu.memory_space<hbm>>
    tpu.enqueue_dma source(%dma_start3A_152 : memref<16x8x2048xf32, #tpu.memory_space<hbm>>) target(%dma_start3A_148 : memref<16x8x2048xf32, #tpu.memory_space<hbm>>) target_semaphore(%arg4 : memref<!tpu.dma_semaphore, #tpu.memory_space<semaphore_mem>>)
    %mul3A_153 = arith.constant 8 : i32
    %mul3A_154 = arith.muli %add3A, %mul3A_153 : i32
    %add3A_155 = arith.constant 6 : i32
    %add3A_156 = arith.addi %mul3A_154, %add3A_155 : i32
    %sub3A_157 = arith.constant 255 : i32
    %sub3A_158 = arith.subi %sub3A_157, %add3A_156 : i32
    %and3A_159 = arith.constant 15 : i32
    %and3A_160 = arith.andi %sub3A_158, %and3A_159 : i32
    %mul3A_161 = arith.constant 8 : i32
    %mul3A_162 = arith.muli %mul3A_161, %add3A_156 : i32
    %sub3A_163 = arith.constant 2040 : i32
    %sub3A_164 = arith.subi %sub3A_163, %mul3A_162 : i32
    %mul3A_165 = arith.constant 8 : i32
    %mul3A_166 = arith.muli %mul3A_165, %and3A_160 : i32
    %sub3A_167 = arith.subi %sub3A_164, %mul3A_166 : i32
    %multiple_of3A_168 = tpu.assume_multiple %sub3A_167, 128 : i32
    %mul3A_169 = arith.constant 8 : i32
    %mul3A_170 = arith.muli %mul3A_169, %add3A_156 : i32
    %multiple_of3A_171 = tpu.assume_multiple %mul3A_170, 8 : i32
    %dma_start3A_172 = arith.constant 0 : i32
    %dma_start3A_173 = arith.constant 0 : i32
    %dma_start3A_174 = tpu.memref_slice %arg3[%dma_start3A_172, %multiple_of3A_171, %dma_start3A_173] : memref<16x2048x2048xf32, #tpu.memory_space<hbm>> -> memref<16x8x2048xf32, #tpu.memory_space<hbm>>
    %dma_start3A_175 = arith.constant 0 : i32
    %dma_start3A_176 = arith.constant 0 : i32
    %dma_start3A_177 = tpu.memref_slice %arg2[%and3A_160, %dma_start3A_175, %dma_start3A_176, %multiple_of3A_168] : memref<16x16x8x4480xf32, #tpu.memory_space<hbm>> -> memref<1x16x8x2048xf32, #tpu.memory_space<hbm>>
    %dma_start3A_178 = tpu.memref_squeeze %dma_start3A_177 : memref<1x16x8x2048xf32, #tpu.memory_space<hbm>> -> memref<16x8x2048xf32, #tpu.memory_space<hbm>>
    tpu.enqueue_dma source(%dma_start3A_178 : memref<16x8x2048xf32, #tpu.memory_space<hbm>>) target(%dma_start3A_174 : memref<16x8x2048xf32, #tpu.memory_space<hbm>>) target_semaphore(%arg4 : memref<!tpu.dma_semaphore, #tpu.memory_space<semaphore_mem>>)
    %mul3A_179 = arith.constant 8 : i32
    %mul3A_180 = arith.muli %add3A, %mul3A_179 : i32
    %add3A_181 = arith.constant 7 : i32
    %add3A_182 = arith.addi %mul3A_180, %add3A_181 : i32
    %sub3A_183 = arith.constant 255 : i32
    %sub3A_184 = arith.subi %sub3A_183, %add3A_182 : i32
    %and3A_185 = arith.constant 15 : i32
    %and3A_186 = arith.andi %sub3A_184, %and3A_185 : i32
    %mul3A_187 = arith.constant 8 : i32
    %mul3A_188 = arith.muli %mul3A_187, %add3A_182 : i32
    %sub3A_189 = arith.constant 2040 : i32
    %sub3A_190 = arith.subi %sub3A_189, %mul3A_188 : i32
    %mul3A_191 = arith.constant 8 : i32
    %mul3A_192 = arith.muli %mul3A_191, %and3A_186 : i32
    %sub3A_193 = arith.subi %sub3A_190, %mul3A_192 : i32
    %multiple_of3A_194 = tpu.assume_multiple %sub3A_193, 128 : i32
    %mul3A_195 = arith.constant 8 : i32
    %mul3A_196 = arith.muli %mul3A_195, %add3A_182 : i32
    %multiple_of3A_197 = tpu.assume_multiple %mul3A_196, 8 : i32
    %dma_start3A_198 = arith.constant 0 : i32
    %dma_start3A_199 = arith.constant 0 : i32
    %dma_start3A_200 = tpu.memref_slice %arg3[%dma_start3A_198, %multiple_of3A_197, %dma_start3A_199] : memref<16x2048x2048xf32, #tpu.memory_space<hbm>> -> memref<16x8x2048xf32, #tpu.memory_space<hbm>>
    %dma_start3A_201 = arith.constant 0 : i32
    %dma_start3A_202 = arith.constant 0 : i32
    %dma_start3A_203 = tpu.memref_slice %arg2[%and3A_186, %dma_start3A_201, %dma_start3A_202, %multiple_of3A_194] : memref<16x16x8x4480xf32, #tpu.memory_space<hbm>> -> memref<1x16x8x2048xf32, #tpu.memory_space<hbm>>
    %dma_start3A_204 = tpu.memref_squeeze %dma_start3A_203 : memref<1x16x8x2048xf32, #tpu.memory_space<hbm>> -> memref<16x8x2048xf32, #tpu.memory_space<hbm>>
    tpu.enqueue_dma source(%dma_start3A_204 : memref<16x8x2048xf32, #tpu.memory_space<hbm>>) target(%dma_start3A_200 : memref<16x8x2048xf32, #tpu.memory_space<hbm>>) target_semaphore(%arg4 : memref<!tpu.dma_semaphore, #tpu.memory_space<semaphore_mem>>)
    %dma_wait3A = arith.constant 0 : i32
    %dma_wait3A_205 = arith.constant 0 : i32
    %dma_wait3A_206 = tpu.memref_slice %arg3[%dma_wait3A, %multiple_of3A_16, %dma_wait3A_205] : memref<16x2048x2048xf32, #tpu.memory_space<hbm>> -> memref<16x8x2048xf32, #tpu.memory_space<hbm>>
    %dma_wait3A_207 = arith.constant 0 : i32
    %dma_wait3A_208 = arith.constant 0 : i32
    %dma_wait3A_209 = tpu.memref_slice %arg2[%and3A_6, %dma_wait3A_207, %dma_wait3A_208, %multiple_of3A] : memref<16x16x8x4480xf32, #tpu.memory_space<hbm>> -> memref<1x16x8x2048xf32, #tpu.memory_space<hbm>>
    %dma_wait3A_210 = tpu.memref_squeeze %dma_wait3A_209 : memref<1x16x8x2048xf32, #tpu.memory_space<hbm>> -> memref<16x8x2048xf32, #tpu.memory_space<hbm>>
    tpu.wait_dma2 semaphore(%arg4 : memref<!tpu.dma_semaphore, #tpu.memory_space<semaphore_mem>>) src(%dma_wait3A_210 : memref<16x8x2048xf32, #tpu.memory_space<hbm>>) dst(%dma_wait3A_206 : memref<16x8x2048xf32, #tpu.memory_space<hbm>>)
    %dma_wait3A_211 = arith.constant 0 : i32
    %dma_wait3A_212 = arith.constant 0 : i32
    %dma_wait3A_213 = tpu.memref_slice %arg3[%dma_wait3A_211, %multiple_of3A_41, %dma_wait3A_212] : memref<16x2048x2048xf32, #tpu.memory_space<hbm>> -> memref<16x8x2048xf32, #tpu.memory_space<hbm>>
    %dma_wait3A_214 = arith.constant 0 : i32
    %dma_wait3A_215 = arith.constant 0 : i32
    %dma_wait3A_216 = tpu.memref_slice %arg2[%and3A_30, %dma_wait3A_214, %dma_wait3A_215, %multiple_of3A_38] : memref<16x16x8x4480xf32, #tpu.memory_space<hbm>> -> memref<1x16x8x2048xf32, #tpu.memory_space<hbm>>
    %dma_wait3A_217 = tpu.memref_squeeze %dma_wait3A_216 : memref<1x16x8x2048xf32, #tpu.memory_space<hbm>> -> memref<16x8x2048xf32, #tpu.memory_space<hbm>>
    tpu.wait_dma2 semaphore(%arg4 : memref<!tpu.dma_semaphore, #tpu.memory_space<semaphore_mem>>) src(%dma_wait3A_217 : memref<16x8x2048xf32, #tpu.memory_space<hbm>>) dst(%dma_wait3A_213 : memref<16x8x2048xf32, #tpu.memory_space<hbm>>)
    %dma_wait3A_218 = arith.constant 0 : i32
    %dma_wait3A_219 = arith.constant 0 : i32
    %dma_wait3A_220 = tpu.memref_slice %arg3[%dma_wait3A_218, %multiple_of3A_67, %dma_wait3A_219] : memref<16x2048x2048xf32, #tpu.memory_space<hbm>> -> memref<16x8x2048xf32, #tpu.memory_space<hbm>>
    %dma_wait3A_221 = arith.constant 0 : i32
    %dma_wait3A_222 = arith.constant 0 : i32
    %dma_wait3A_223 = tpu.memref_slice %arg2[%and3A_56, %dma_wait3A_221, %dma_wait3A_222, %multiple_of3A_64] : memref<16x16x8x4480xf32, #tpu.memory_space<hbm>> -> memref<1x16x8x2048xf32, #tpu.memory_space<hbm>>
    %dma_wait3A_224 = tpu.memref_squeeze %dma_wait3A_223 : memref<1x16x8x2048xf32, #tpu.memory_space<hbm>> -> memref<16x8x2048xf32, #tpu.memory_space<hbm>>
    tpu.wait_dma2 semaphore(%arg4 : memref<!tpu.dma_semaphore, #tpu.memory_space<semaphore_mem>>) src(%dma_wait3A_224 : memref<16x8x2048xf32, #tpu.memory_space<hbm>>) dst(%dma_wait3A_220 : memref<16x8x2048xf32, #tpu.memory_space<hbm>>)
    %dma_wait3A_225 = arith.constant 0 : i32
    %dma_wait3A_226 = arith.constant 0 : i32
    %dma_wait3A_227 = tpu.memref_slice %arg3[%dma_wait3A_225, %multiple_of3A_93, %dma_wait3A_226] : memref<16x2048x2048xf32, #tpu.memory_space<hbm>> -> memref<16x8x2048xf32, #tpu.memory_space<hbm>>
    %dma_wait3A_228 = arith.constant 0 : i32
    %dma_wait3A_229 = arith.constant 0 : i32
    %dma_wait3A_230 = tpu.memref_slice %arg2[%and3A_82, %dma_wait3A_228, %dma_wait3A_229, %multiple_of3A_90] : memref<16x16x8x4480xf32, #tpu.memory_space<hbm>> -> memref<1x16x8x2048xf32, #tpu.memory_space<hbm>>
    %dma_wait3A_231 = tpu.memref_squeeze %dma_wait3A_230 : memref<1x16x8x2048xf32, #tpu.memory_space<hbm>> -> memref<16x8x2048xf32, #tpu.memory_space<hbm>>
    tpu.wait_dma2 semaphore(%arg4 : memref<!tpu.dma_semaphore, #tpu.memory_space<semaphore_mem>>) src(%dma_wait3A_231 : memref<16x8x2048xf32, #tpu.memory_space<hbm>>) dst(%dma_wait3A_227 : memref<16x8x2048xf32, #tpu.memory_space<hbm>>)
    %dma_wait3A_232 = arith.constant 0 : i32
    %dma_wait3A_233 = arith.constant 0 : i32
    %dma_wait3A_234 = tpu.memref_slice %arg3[%dma_wait3A_232, %multiple_of3A_119, %dma_wait3A_233] : memref<16x2048x2048xf32, #tpu.memory_space<hbm>> -> memref<16x8x2048xf32, #tpu.memory_space<hbm>>
    %dma_wait3A_235 = arith.constant 0 : i32
    %dma_wait3A_236 = arith.constant 0 : i32
    %dma_wait3A_237 = tpu.memref_slice %arg2[%and3A_108, %dma_wait3A_235, %dma_wait3A_236, %multiple_of3A_116] : memref<16x16x8x4480xf32, #tpu.memory_space<hbm>> -> memref<1x16x8x2048xf32, #tpu.memory_space<hbm>>
    %dma_wait3A_238 = tpu.memref_squeeze %dma_wait3A_237 : memref<1x16x8x2048xf32, #tpu.memory_space<hbm>> -> memref<16x8x2048xf32, #tpu.memory_space<hbm>>
    tpu.wait_dma2 semaphore(%arg4 : memref<!tpu.dma_semaphore, #tpu.memory_space<semaphore_mem>>) src(%dma_wait3A_238 : memref<16x8x2048xf32, #tpu.memory_space<hbm>>) dst(%dma_wait3A_234 : memref<16x8x2048xf32, #tpu.memory_space<hbm>>)
    %dma_wait3A_239 = arith.constant 0 : i32
    %dma_wait3A_240 = arith.constant 0 : i32
    %dma_wait3A_241 = tpu.memref_slice %arg3[%dma_wait3A_239, %multiple_of3A_145, %dma_wait3A_240] : memref<16x2048x2048xf32, #tpu.memory_space<hbm>> -> memref<16x8x2048xf32, #tpu.memory_space<hbm>>
    %dma_wait3A_242 = arith.constant 0 : i32
    %dma_wait3A_243 = arith.constant 0 : i32
    %dma_wait3A_244 = tpu.memref_slice %arg2[%and3A_134, %dma_wait3A_242, %dma_wait3A_243, %multiple_of3A_142] : memref<16x16x8x4480xf32, #tpu.memory_space<hbm>> -> memref<1x16x8x2048xf32, #tpu.memory_space<hbm>>
    %dma_wait3A_245 = tpu.memref_squeeze %dma_wait3A_244 : memref<1x16x8x2048xf32, #tpu.memory_space<hbm>> -> memref<16x8x2048xf32, #tpu.memory_space<hbm>>
    tpu.wait_dma2 semaphore(%arg4 : memref<!tpu.dma_semaphore, #tpu.memory_space<semaphore_mem>>) src(%dma_wait3A_245 : memref<16x8x2048xf32, #tpu.memory_space<hbm>>) dst(%dma_wait3A_241 : memref<16x8x2048xf32, #tpu.memory_space<hbm>>)
    %dma_wait3A_246 = arith.constant 0 : i32
    %dma_wait3A_247 = arith.constant 0 : i32
    %dma_wait3A_248 = tpu.memref_slice %arg3[%dma_wait3A_246, %multiple_of3A_171, %dma_wait3A_247] : memref<16x2048x2048xf32, #tpu.memory_space<hbm>> -> memref<16x8x2048xf32, #tpu.memory_space<hbm>>
    %dma_wait3A_249 = arith.constant 0 : i32
    %dma_wait3A_250 = arith.constant 0 : i32
    %dma_wait3A_251 = tpu.memref_slice %arg2[%and3A_160, %dma_wait3A_249, %dma_wait3A_250, %multiple_of3A_168] : memref<16x16x8x4480xf32, #tpu.memory_space<hbm>> -> memref<1x16x8x2048xf32, #tpu.memory_space<hbm>>
    %dma_wait3A_252 = tpu.memref_squeeze %dma_wait3A_251 : memref<1x16x8x2048xf32, #tpu.memory_space<hbm>> -> memref<16x8x2048xf32, #tpu.memory_space<hbm>>
    tpu.wait_dma2 semaphore(%arg4 : memref<!tpu.dma_semaphore, #tpu.memory_space<semaphore_mem>>) src(%dma_wait3A_252 : memref<16x8x2048xf32, #tpu.memory_space<hbm>>) dst(%dma_wait3A_248 : memref<16x8x2048xf32, #tpu.memory_space<hbm>>)
    %dma_wait3A_253 = arith.constant 0 : i32
    %dma_wait3A_254 = arith.constant 0 : i32
    %dma_wait3A_255 = tpu.memref_slice %arg3[%dma_wait3A_253, %multiple_of3A_197, %dma_wait3A_254] : memref<16x2048x2048xf32, #tpu.memory_space<hbm>> -> memref<16x8x2048xf32, #tpu.memory_space<hbm>>
    %dma_wait3A_256 = arith.constant 0 : i32
    %dma_wait3A_257 = arith.constant 0 : i32
    %dma_wait3A_258 = tpu.memref_slice %arg2[%and3A_186, %dma_wait3A_256, %dma_wait3A_257, %multiple_of3A_194] : memref<16x16x8x4480xf32, #tpu.memory_space<hbm>> -> memref<1x16x8x2048xf32, #tpu.memory_space<hbm>>
    %dma_wait3A_259 = tpu.memref_squeeze %dma_wait3A_258 : memref<1x16x8x2048xf32, #tpu.memory_space<hbm>> -> memref<16x8x2048xf32, #tpu.memory_space<hbm>>
    tpu.wait_dma2 semaphore(%arg4 : memref<!tpu.dma_semaphore, #tpu.memory_space<semaphore_mem>>) src(%dma_wait3A_259 : memref<16x8x2048xf32, #tpu.memory_space<hbm>>) dst(%dma_wait3A_255 : memref<16x8x2048xf32, #tpu.memory_space<hbm>>)
    return
  }
}

module attributes {stable_mosaic.version = 14 : i64} {
  func.func @_prep_body(%arg0: i32, %arg1: memref<16x32xf32, #tpu.memory_space<vmem>>, %arg2: memref<1x16x8x4480xf32, #tpu.memory_space<vmem>>, %arg3: memref<16x4736xf32, #tpu.memory_space<vmem>>) attributes {dimension_semantics = [#tpu.dimension_semantics<arbitrary>], iteration_bounds = array<i64: 16>, scalar_prefetch = 0 : i64, scratch_operands = 1 : i64, tpu.core_type = #tpu.core_type<tc>, window_params = [{pipeline_mode = #tpu.pipeline_mode<synchronous>, transform_indices = @transform_0, window_bounds = array<i64: 16, 32>}, {transform_indices = @transform_1, window_bounds = array<i64: 1, 16, 8, 4480>}]} {
    %eq3A = arith.constant 0 : i32
    %eq3A_0 = arith.cmpi eq, %arg0, %eq3A : i32
    %convert_element_type3A = arith.extui %eq3A_0 : i1 to i32
    %cond3A = arith.constant 0 : i32
    %cond3A_1 = arith.cmpi ne, %convert_element_type3A, %cond3A : i32
    scf.if %cond3A_1 {
      %iota3A = tpu.iota {dimensions = array<i32: 1>} : vector<1x4736xi32>
      %sub3A = arith.constant 2047 : i32
      %sub3A_82 = vector.broadcast %sub3A : i32 to vector<1x4736xi32>
      %sub3A_83 = arith.subi %sub3A_82, %iota3A : vector<1x4736xi32>
      %lt3A = arith.constant 0 : i32
      %lt3A_84 = vector.broadcast %lt3A : i32 to vector<1x4736xi32>
      %lt3A_85 = arith.cmpi slt, %sub3A_83, %lt3A_84 : vector<1x4736xi32>
      %jit3A = arith.constant 16 : i32
      %jit3A_86 = arith.constant 0 : i32
      %broadcast_in_dim3A = vector.broadcast %jit3A : i32 to vector<1x4736xi32>
      %broadcast_in_dim3A_87 = vector.broadcast %jit3A_86 : i32 to vector<1x4736xi32>
      %select_n3A = arith.select %lt3A_85, %broadcast_in_dim3A, %broadcast_in_dim3A_87 : vector<1x4736xi1>, vector<1x4736xi32>
      %abs3A = math.absi %sub3A_83 : vector<1x4736xi32>
      %lt3A_88 = arith.constant 8 : i32
      %lt3A_89 = vector.broadcast %lt3A_88 : i32 to vector<1x4736xi32>
      %lt3A_90 = arith.cmpi slt, %abs3A, %lt3A_89 : vector<1x4736xi32>
      %max3A = arith.constant 1 : i32
      %max3A_91 = vector.broadcast %max3A : i32 to vector<1x4736xi32>
      %max3A_92 = arith.maxsi %abs3A, %max3A_91 : vector<1x4736xi32>
      %convert_element_type3A_93 = arith.sitofp %max3A_92 : vector<1x4736xi32> to vector<1x4736xf32>
      %div3A = arith.constant 8.000000e+00 : f32
      %div3A_94 = vector.broadcast %div3A : f32 to vector<1x4736xf32>
      %div3A_95 = arith.divf %convert_element_type3A_93, %div3A_94 : vector<1x4736xf32>
      %log3A = math.log %div3A_95 : vector<1x4736xf32>
      %div3A_96 = arith.constant 2.77258873 : f32
      %div3A_97 = vector.broadcast %div3A_96 : f32 to vector<1x4736xf32>
      %div3A_98 = arith.divf %log3A, %div3A_97 : vector<1x4736xf32>
      %mul3A = arith.constant 8.000000e+00 : f32
      %mul3A_99 = vector.broadcast %mul3A : f32 to vector<1x4736xf32>
      %mul3A_100 = arith.mulf %div3A_98, %mul3A_99 : vector<1x4736xf32>
      %convert_element_type3A_101 = arith.fptosi %mul3A_100 : vector<1x4736xf32> to vector<1x4736xi32>
      %add3A = arith.constant 8 : i32
      %add3A_102 = vector.broadcast %add3A : i32 to vector<1x4736xi32>
      %add3A_103 = arith.addi %add3A_102, %convert_element_type3A_101 : vector<1x4736xi32>
      %min3A = arith.constant 15 : i32
      %min3A_104 = vector.broadcast %min3A : i32 to vector<1x4736xi32>
      %min3A_105 = arith.minsi %add3A_103, %min3A_104 : vector<1x4736xi32>
      %select_n3A_106 = arith.select %lt3A_90, %abs3A, %min3A_105 : vector<1x4736xi1>, vector<1x4736xi32>
      %add3A_107 = arith.addi %select_n3A, %select_n3A_106 : vector<1x4736xi32>
      %broadcast_in_dim3A_108 = arith.constant 0.000000e+00 : f32
      %broadcast_in_dim3A_109 = vector.broadcast %broadcast_in_dim3A_108 : f32 to vector<16x4736xf32>
      %eq3A_110 = arith.constant 0 : i32
      %eq3A_111 = vector.broadcast %eq3A_110 : i32 to vector<1x4736xi32>
      %eq3A_112 = arith.cmpi eq, %add3A_107, %eq3A_111 : vector<1x4736xi32>
      %convert_element_type3A_113 = arith.extui %eq3A_112 : vector<1x4736xi1> to vector<1x4736xi32>
      %convert_element_type3A_114 = arith.sitofp %convert_element_type3A_113 : vector<1x4736xi32> to vector<1x4736xf32>
      %get3A = arith.constant 0 : index
      %get3A_115 = arith.constant 0 : index
      %get3A_116 = vector.load %arg1[%get3A, %get3A_115] : memref<16x32xf32, #tpu.memory_space<vmem>>, vector<16x1xf32>
      %mul3A_117 = vector.broadcast %get3A_116 : vector<16x1xf32> to vector<16x4736xf32>
      %mul3A_118 = vector.broadcast %convert_element_type3A_114 : vector<1x4736xf32> to vector<16x4736xf32>
      %mul3A_119 = arith.mulf %mul3A_117, %mul3A_118 : vector<16x4736xf32>
      %add3A_120 = arith.addf %broadcast_in_dim3A_109, %mul3A_119 : vector<16x4736xf32>
      %eq3A_121 = arith.constant 1 : i32
      %eq3A_122 = vector.broadcast %eq3A_121 : i32 to vector<1x4736xi32>
      %eq3A_123 = arith.cmpi eq, %add3A_107, %eq3A_122 : vector<1x4736xi32>
      %convert_element_type3A_124 = arith.extui %eq3A_123 : vector<1x4736xi1> to vector<1x4736xi32>
      %convert_element_type3A_125 = arith.sitofp %convert_element_type3A_124 : vector<1x4736xi32> to vector<1x4736xf32>
      %get3A_126 = arith.constant 0 : index
      %get3A_127 = arith.constant 1 : index
      %get3A_128 = vector.load %arg1[%get3A_126, %get3A_127] : memref<16x32xf32, #tpu.memory_space<vmem>>, vector<16x1xf32>
      %mul3A_129 = vector.broadcast %get3A_128 : vector<16x1xf32> to vector<16x4736xf32>
      %mul3A_130 = vector.broadcast %convert_element_type3A_125 : vector<1x4736xf32> to vector<16x4736xf32>
      %mul3A_131 = arith.mulf %mul3A_129, %mul3A_130 : vector<16x4736xf32>
      %add3A_132 = arith.addf %add3A_120, %mul3A_131 : vector<16x4736xf32>
      %eq3A_133 = arith.constant 2 : i32
      %eq3A_134 = vector.broadcast %eq3A_133 : i32 to vector<1x4736xi32>
      %eq3A_135 = arith.cmpi eq, %add3A_107, %eq3A_134 : vector<1x4736xi32>
      %convert_element_type3A_136 = arith.extui %eq3A_135 : vector<1x4736xi1> to vector<1x4736xi32>
      %convert_element_type3A_137 = arith.sitofp %convert_element_type3A_136 : vector<1x4736xi32> to vector<1x4736xf32>
      %get3A_138 = arith.constant 0 : index
      %get3A_139 = arith.constant 2 : index
      %get3A_140 = vector.load %arg1[%get3A_138, %get3A_139] : memref<16x32xf32, #tpu.memory_space<vmem>>, vector<16x1xf32>
      %mul3A_141 = vector.broadcast %get3A_140 : vector<16x1xf32> to vector<16x4736xf32>
      %mul3A_142 = vector.broadcast %convert_element_type3A_137 : vector<1x4736xf32> to vector<16x4736xf32>
      %mul3A_143 = arith.mulf %mul3A_141, %mul3A_142 : vector<16x4736xf32>
      %add3A_144 = arith.addf %add3A_132, %mul3A_143 : vector<16x4736xf32>
      %eq3A_145 = arith.constant 3 : i32
      %eq3A_146 = vector.broadcast %eq3A_145 : i32 to vector<1x4736xi32>
      %eq3A_147 = arith.cmpi eq, %add3A_107, %eq3A_146 : vector<1x4736xi32>
      %convert_element_type3A_148 = arith.extui %eq3A_147 : vector<1x4736xi1> to vector<1x4736xi32>
      %convert_element_type3A_149 = arith.sitofp %convert_element_type3A_148 : vector<1x4736xi32> to vector<1x4736xf32>
      %get3A_150 = arith.constant 0 : index
      %get3A_151 = arith.constant 3 : index
      %get3A_152 = vector.load %arg1[%get3A_150, %get3A_151] : memref<16x32xf32, #tpu.memory_space<vmem>>, vector<16x1xf32>
      %mul3A_153 = vector.broadcast %get3A_152 : vector<16x1xf32> to vector<16x4736xf32>
      %mul3A_154 = vector.broadcast %convert_element_type3A_149 : vector<1x4736xf32> to vector<16x4736xf32>
      %mul3A_155 = arith.mulf %mul3A_153, %mul3A_154 : vector<16x4736xf32>
      %add3A_156 = arith.addf %add3A_144, %mul3A_155 : vector<16x4736xf32>
      %eq3A_157 = arith.constant 4 : i32
      %eq3A_158 = vector.broadcast %eq3A_157 : i32 to vector<1x4736xi32>
      %eq3A_159 = arith.cmpi eq, %add3A_107, %eq3A_158 : vector<1x4736xi32>
      %convert_element_type3A_160 = arith.extui %eq3A_159 : vector<1x4736xi1> to vector<1x4736xi32>
      %convert_element_type3A_161 = arith.sitofp %convert_element_type3A_160 : vector<1x4736xi32> to vector<1x4736xf32>
      %get3A_162 = arith.constant 0 : index
      %get3A_163 = arith.constant 4 : index
      %get3A_164 = vector.load %arg1[%get3A_162, %get3A_163] : memref<16x32xf32, #tpu.memory_space<vmem>>, vector<16x1xf32>
      %mul3A_165 = vector.broadcast %get3A_164 : vector<16x1xf32> to vector<16x4736xf32>
      %mul3A_166 = vector.broadcast %convert_element_type3A_161 : vector<1x4736xf32> to vector<16x4736xf32>
      %mul3A_167 = arith.mulf %mul3A_165, %mul3A_166 : vector<16x4736xf32>
      %add3A_168 = arith.addf %add3A_156, %mul3A_167 : vector<16x4736xf32>
      %eq3A_169 = arith.constant 5 : i32
      %eq3A_170 = vector.broadcast %eq3A_169 : i32 to vector<1x4736xi32>
      %eq3A_171 = arith.cmpi eq, %add3A_107, %eq3A_170 : vector<1x4736xi32>
      %convert_element_type3A_172 = arith.extui %eq3A_171 : vector<1x4736xi1> to vector<1x4736xi32>
      %convert_element_type3A_173 = arith.sitofp %convert_element_type3A_172 : vector<1x4736xi32> to vector<1x4736xf32>
      %get3A_174 = arith.constant 0 : index
      %get3A_175 = arith.constant 5 : index
      %get3A_176 = vector.load %arg1[%get3A_174, %get3A_175] : memref<16x32xf32, #tpu.memory_space<vmem>>, vector<16x1xf32>
      %mul3A_177 = vector.broadcast %get3A_176 : vector<16x1xf32> to vector<16x4736xf32>
      %mul3A_178 = vector.broadcast %convert_element_type3A_173 : vector<1x4736xf32> to vector<16x4736xf32>
      %mul3A_179 = arith.mulf %mul3A_177, %mul3A_178 : vector<16x4736xf32>
      %add3A_180 = arith.addf %add3A_168, %mul3A_179 : vector<16x4736xf32>
      %eq3A_181 = arith.constant 6 : i32
      %eq3A_182 = vector.broadcast %eq3A_181 : i32 to vector<1x4736xi32>
      %eq3A_183 = arith.cmpi eq, %add3A_107, %eq3A_182 : vector<1x4736xi32>
      %convert_element_type3A_184 = arith.extui %eq3A_183 : vector<1x4736xi1> to vector<1x4736xi32>
      %convert_element_type3A_185 = arith.sitofp %convert_element_type3A_184 : vector<1x4736xi32> to vector<1x4736xf32>
      %get3A_186 = arith.constant 0 : index
      %get3A_187 = arith.constant 6 : index
      %get3A_188 = vector.load %arg1[%get3A_186, %get3A_187] : memref<16x32xf32, #tpu.memory_space<vmem>>, vector<16x1xf32>
      %mul3A_189 = vector.broadcast %get3A_188 : vector<16x1xf32> to vector<16x4736xf32>
      %mul3A_190 = vector.broadcast %convert_element_type3A_185 : vector<1x4736xf32> to vector<16x4736xf32>
      %mul3A_191 = arith.mulf %mul3A_189, %mul3A_190 : vector<16x4736xf32>
      %add3A_192 = arith.addf %add3A_180, %mul3A_191 : vector<16x4736xf32>
      %eq3A_193 = arith.constant 7 : i32
      %eq3A_194 = vector.broadcast %eq3A_193 : i32 to vector<1x4736xi32>
      %eq3A_195 = arith.cmpi eq, %add3A_107, %eq3A_194 : vector<1x4736xi32>
      %convert_element_type3A_196 = arith.extui %eq3A_195 : vector<1x4736xi1> to vector<1x4736xi32>
      %convert_element_type3A_197 = arith.sitofp %convert_element_type3A_196 : vector<1x4736xi32> to vector<1x4736xf32>
      %get3A_198 = arith.constant 0 : index
      %get3A_199 = arith.constant 7 : index
      %get3A_200 = vector.load %arg1[%get3A_198, %get3A_199] : memref<16x32xf32, #tpu.memory_space<vmem>>, vector<16x1xf32>
      %mul3A_201 = vector.broadcast %get3A_200 : vector<16x1xf32> to vector<16x4736xf32>
      %mul3A_202 = vector.broadcast %convert_element_type3A_197 : vector<1x4736xf32> to vector<16x4736xf32>
      %mul3A_203 = arith.mulf %mul3A_201, %mul3A_202 : vector<16x4736xf32>
      %add3A_204 = arith.addf %add3A_192, %mul3A_203 : vector<16x4736xf32>
      %eq3A_205 = arith.constant 8 : i32
      %eq3A_206 = vector.broadcast %eq3A_205 : i32 to vector<1x4736xi32>
      %eq3A_207 = arith.cmpi eq, %add3A_107, %eq3A_206 : vector<1x4736xi32>
      %convert_element_type3A_208 = arith.extui %eq3A_207 : vector<1x4736xi1> to vector<1x4736xi32>
      %convert_element_type3A_209 = arith.sitofp %convert_element_type3A_208 : vector<1x4736xi32> to vector<1x4736xf32>
      %get3A_210 = arith.constant 0 : index
      %get3A_211 = arith.constant 8 : index
      %get3A_212 = vector.load %arg1[%get3A_210, %get3A_211] : memref<16x32xf32, #tpu.memory_space<vmem>>, vector<16x1xf32>
      %mul3A_213 = vector.broadcast %get3A_212 : vector<16x1xf32> to vector<16x4736xf32>
      %mul3A_214 = vector.broadcast %convert_element_type3A_209 : vector<1x4736xf32> to vector<16x4736xf32>
      %mul3A_215 = arith.mulf %mul3A_213, %mul3A_214 : vector<16x4736xf32>
      %add3A_216 = arith.addf %add3A_204, %mul3A_215 : vector<16x4736xf32>
      %eq3A_217 = arith.constant 9 : i32
      %eq3A_218 = vector.broadcast %eq3A_217 : i32 to vector<1x4736xi32>
      %eq3A_219 = arith.cmpi eq, %add3A_107, %eq3A_218 : vector<1x4736xi32>
      %convert_element_type3A_220 = arith.extui %eq3A_219 : vector<1x4736xi1> to vector<1x4736xi32>
      %convert_element_type3A_221 = arith.sitofp %convert_element_type3A_220 : vector<1x4736xi32> to vector<1x4736xf32>
      %get3A_222 = arith.constant 0 : index
      %get3A_223 = arith.constant 9 : index
      %get3A_224 = vector.load %arg1[%get3A_222, %get3A_223] : memref<16x32xf32, #tpu.memory_space<vmem>>, vector<16x1xf32>
      %mul3A_225 = vector.broadcast %get3A_224 : vector<16x1xf32> to vector<16x4736xf32>
      %mul3A_226 = vector.broadcast %convert_element_type3A_221 : vector<1x4736xf32> to vector<16x4736xf32>
      %mul3A_227 = arith.mulf %mul3A_225, %mul3A_226 : vector<16x4736xf32>
      %add3A_228 = arith.addf %add3A_216, %mul3A_227 : vector<16x4736xf32>
      %eq3A_229 = arith.constant 10 : i32
      %eq3A_230 = vector.broadcast %eq3A_229 : i32 to vector<1x4736xi32>
      %eq3A_231 = arith.cmpi eq, %add3A_107, %eq3A_230 : vector<1x4736xi32>
      %convert_element_type3A_232 = arith.extui %eq3A_231 : vector<1x4736xi1> to vector<1x4736xi32>
      %convert_element_type3A_233 = arith.sitofp %convert_element_type3A_232 : vector<1x4736xi32> to vector<1x4736xf32>
      %get3A_234 = arith.constant 0 : index
      %get3A_235 = arith.constant 10 : index
      %get3A_236 = vector.load %arg1[%get3A_234, %get3A_235] : memref<16x32xf32, #tpu.memory_space<vmem>>, vector<16x1xf32>
      %mul3A_237 = vector.broadcast %get3A_236 : vector<16x1xf32> to vector<16x4736xf32>
      %mul3A_238 = vector.broadcast %convert_element_type3A_233 : vector<1x4736xf32> to vector<16x4736xf32>
      %mul3A_239 = arith.mulf %mul3A_237, %mul3A_238 : vector<16x4736xf32>
      %add3A_240 = arith.addf %add3A_228, %mul3A_239 : vector<16x4736xf32>
      %eq3A_241 = arith.constant 11 : i32
      %eq3A_242 = vector.broadcast %eq3A_241 : i32 to vector<1x4736xi32>
      %eq3A_243 = arith.cmpi eq, %add3A_107, %eq3A_242 : vector<1x4736xi32>
      %convert_element_type3A_244 = arith.extui %eq3A_243 : vector<1x4736xi1> to vector<1x4736xi32>
      %convert_element_type3A_245 = arith.sitofp %convert_element_type3A_244 : vector<1x4736xi32> to vector<1x4736xf32>
      %get3A_246 = arith.constant 0 : index
      %get3A_247 = arith.constant 11 : index
      %get3A_248 = vector.load %arg1[%get3A_246, %get3A_247] : memref<16x32xf32, #tpu.memory_space<vmem>>, vector<16x1xf32>
      %mul3A_249 = vector.broadcast %get3A_248 : vector<16x1xf32> to vector<16x4736xf32>
      %mul3A_250 = vector.broadcast %convert_element_type3A_245 : vector<1x4736xf32> to vector<16x4736xf32>
      %mul3A_251 = arith.mulf %mul3A_249, %mul3A_250 : vector<16x4736xf32>
      %add3A_252 = arith.addf %add3A_240, %mul3A_251 : vector<16x4736xf32>
      %eq3A_253 = arith.constant 12 : i32
      %eq3A_254 = vector.broadcast %eq3A_253 : i32 to vector<1x4736xi32>
      %eq3A_255 = arith.cmpi eq, %add3A_107, %eq3A_254 : vector<1x4736xi32>
      %convert_element_type3A_256 = arith.extui %eq3A_255 : vector<1x4736xi1> to vector<1x4736xi32>
      %convert_element_type3A_257 = arith.sitofp %convert_element_type3A_256 : vector<1x4736xi32> to vector<1x4736xf32>
      %get3A_258 = arith.constant 0 : index
      %get3A_259 = arith.constant 12 : index
      %get3A_260 = vector.load %arg1[%get3A_258, %get3A_259] : memref<16x32xf32, #tpu.memory_space<vmem>>, vector<16x1xf32>
      %mul3A_261 = vector.broadcast %get3A_260 : vector<16x1xf32> to vector<16x4736xf32>
      %mul3A_262 = vector.broadcast %convert_element_type3A_257 : vector<1x4736xf32> to vector<16x4736xf32>
      %mul3A_263 = arith.mulf %mul3A_261, %mul3A_262 : vector<16x4736xf32>
      %add3A_264 = arith.addf %add3A_252, %mul3A_263 : vector<16x4736xf32>
      %eq3A_265 = arith.constant 13 : i32
      %eq3A_266 = vector.broadcast %eq3A_265 : i32 to vector<1x4736xi32>
      %eq3A_267 = arith.cmpi eq, %add3A_107, %eq3A_266 : vector<1x4736xi32>
      %convert_element_type3A_268 = arith.extui %eq3A_267 : vector<1x4736xi1> to vector<1x4736xi32>
      %convert_element_type3A_269 = arith.sitofp %convert_element_type3A_268 : vector<1x4736xi32> to vector<1x4736xf32>
      %get3A_270 = arith.constant 0 : index
      %get3A_271 = arith.constant 13 : index
      %get3A_272 = vector.load %arg1[%get3A_270, %get3A_271] : memref<16x32xf32, #tpu.memory_space<vmem>>, vector<16x1xf32>
      %mul3A_273 = vector.broadcast %get3A_272 : vector<16x1xf32> to vector<16x4736xf32>
      %mul3A_274 = vector.broadcast %convert_element_type3A_269 : vector<1x4736xf32> to vector<16x4736xf32>
      %mul3A_275 = arith.mulf %mul3A_273, %mul3A_274 : vector<16x4736xf32>
      %add3A_276 = arith.addf %add3A_264, %mul3A_275 : vector<16x4736xf32>
      %eq3A_277 = arith.constant 14 : i32
      %eq3A_278 = vector.broadcast %eq3A_277 : i32 to vector<1x4736xi32>
      %eq3A_279 = arith.cmpi eq, %add3A_107, %eq3A_278 : vector<1x4736xi32>
      %convert_element_type3A_280 = arith.extui %eq3A_279 : vector<1x4736xi1> to vector<1x4736xi32>
      %convert_element_type3A_281 = arith.sitofp %convert_element_type3A_280 : vector<1x4736xi32> to vector<1x4736xf32>
      %get3A_282 = arith.constant 0 : index
      %get3A_283 = arith.constant 14 : index
      %get3A_284 = vector.load %arg1[%get3A_282, %get3A_283] : memref<16x32xf32, #tpu.memory_space<vmem>>, vector<16x1xf32>
      %mul3A_285 = vector.broadcast %get3A_284 : vector<16x1xf32> to vector<16x4736xf32>
      %mul3A_286 = vector.broadcast %convert_element_type3A_281 : vector<1x4736xf32> to vector<16x4736xf32>
      %mul3A_287 = arith.mulf %mul3A_285, %mul3A_286 : vector<16x4736xf32>
      %add3A_288 = arith.addf %add3A_276, %mul3A_287 : vector<16x4736xf32>
      %eq3A_289 = arith.constant 15 : i32
      %eq3A_290 = vector.broadcast %eq3A_289 : i32 to vector<1x4736xi32>
      %eq3A_291 = arith.cmpi eq, %add3A_107, %eq3A_290 : vector<1x4736xi32>
      %convert_element_type3A_292 = arith.extui %eq3A_291 : vector<1x4736xi1> to vector<1x4736xi32>
      %convert_element_type3A_293 = arith.sitofp %convert_element_type3A_292 : vector<1x4736xi32> to vector<1x4736xf32>
      %get3A_294 = arith.constant 0 : index
      %get3A_295 = arith.constant 15 : index
      %get3A_296 = vector.load %arg1[%get3A_294, %get3A_295] : memref<16x32xf32, #tpu.memory_space<vmem>>, vector<16x1xf32>
      %mul3A_297 = vector.broadcast %get3A_296 : vector<16x1xf32> to vector<16x4736xf32>
      %mul3A_298 = vector.broadcast %convert_element_type3A_293 : vector<1x4736xf32> to vector<16x4736xf32>
      %mul3A_299 = arith.mulf %mul3A_297, %mul3A_298 : vector<16x4736xf32>
      %add3A_300 = arith.addf %add3A_288, %mul3A_299 : vector<16x4736xf32>
      %eq3A_301 = arith.constant 16 : i32
      %eq3A_302 = vector.broadcast %eq3A_301 : i32 to vector<1x4736xi32>
      %eq3A_303 = arith.cmpi eq, %add3A_107, %eq3A_302 : vector<1x4736xi32>
      %convert_element_type3A_304 = arith.extui %eq3A_303 : vector<1x4736xi1> to vector<1x4736xi32>
      %convert_element_type3A_305 = arith.sitofp %convert_element_type3A_304 : vector<1x4736xi32> to vector<1x4736xf32>
      %get3A_306 = arith.constant 0 : index
      %get3A_307 = arith.constant 16 : index
      %get3A_308 = vector.load %arg1[%get3A_306, %get3A_307] : memref<16x32xf32, #tpu.memory_space<vmem>>, vector<16x1xf32>
      %mul3A_309 = vector.broadcast %get3A_308 : vector<16x1xf32> to vector<16x4736xf32>
      %mul3A_310 = vector.broadcast %convert_element_type3A_305 : vector<1x4736xf32> to vector<16x4736xf32>
      %mul3A_311 = arith.mulf %mul3A_309, %mul3A_310 : vector<16x4736xf32>
      %add3A_312 = arith.addf %add3A_300, %mul3A_311 : vector<16x4736xf32>
      %eq3A_313 = arith.constant 17 : i32
      %eq3A_314 = vector.broadcast %eq3A_313 : i32 to vector<1x4736xi32>
      %eq3A_315 = arith.cmpi eq, %add3A_107, %eq3A_314 : vector<1x4736xi32>
      %convert_element_type3A_316 = arith.extui %eq3A_315 : vector<1x4736xi1> to vector<1x4736xi32>
      %convert_element_type3A_317 = arith.sitofp %convert_element_type3A_316 : vector<1x4736xi32> to vector<1x4736xf32>
      %get3A_318 = arith.constant 0 : index
      %get3A_319 = arith.constant 17 : index
      %get3A_320 = vector.load %arg1[%get3A_318, %get3A_319] : memref<16x32xf32, #tpu.memory_space<vmem>>, vector<16x1xf32>
      %mul3A_321 = vector.broadcast %get3A_320 : vector<16x1xf32> to vector<16x4736xf32>
      %mul3A_322 = vector.broadcast %convert_element_type3A_317 : vector<1x4736xf32> to vector<16x4736xf32>
      %mul3A_323 = arith.mulf %mul3A_321, %mul3A_322 : vector<16x4736xf32>
      %add3A_324 = arith.addf %add3A_312, %mul3A_323 : vector<16x4736xf32>
      %eq3A_325 = arith.constant 18 : i32
      %eq3A_326 = vector.broadcast %eq3A_325 : i32 to vector<1x4736xi32>
      %eq3A_327 = arith.cmpi eq, %add3A_107, %eq3A_326 : vector<1x4736xi32>
      %convert_element_type3A_328 = arith.extui %eq3A_327 : vector<1x4736xi1> to vector<1x4736xi32>
      %convert_element_type3A_329 = arith.sitofp %convert_element_type3A_328 : vector<1x4736xi32> to vector<1x4736xf32>
      %get3A_330 = arith.constant 0 : index
      %get3A_331 = arith.constant 18 : index
      %get3A_332 = vector.load %arg1[%get3A_330, %get3A_331] : memref<16x32xf32, #tpu.memory_space<vmem>>, vector<16x1xf32>
      %mul3A_333 = vector.broadcast %get3A_332 : vector<16x1xf32> to vector<16x4736xf32>
      %mul3A_334 = vector.broadcast %convert_element_type3A_329 : vector<1x4736xf32> to vector<16x4736xf32>
      %mul3A_335 = arith.mulf %mul3A_333, %mul3A_334 : vector<16x4736xf32>
      %add3A_336 = arith.addf %add3A_324, %mul3A_335 : vector<16x4736xf32>
      %eq3A_337 = arith.constant 19 : i32
      %eq3A_338 = vector.broadcast %eq3A_337 : i32 to vector<1x4736xi32>
      %eq3A_339 = arith.cmpi eq, %add3A_107, %eq3A_338 : vector<1x4736xi32>
      %convert_element_type3A_340 = arith.extui %eq3A_339 : vector<1x4736xi1> to vector<1x4736xi32>
      %convert_element_type3A_341 = arith.sitofp %convert_element_type3A_340 : vector<1x4736xi32> to vector<1x4736xf32>
      %get3A_342 = arith.constant 0 : index
      %get3A_343 = arith.constant 19 : index
      %get3A_344 = vector.load %arg1[%get3A_342, %get3A_343] : memref<16x32xf32, #tpu.memory_space<vmem>>, vector<16x1xf32>
      %mul3A_345 = vector.broadcast %get3A_344 : vector<16x1xf32> to vector<16x4736xf32>
      %mul3A_346 = vector.broadcast %convert_element_type3A_341 : vector<1x4736xf32> to vector<16x4736xf32>
      %mul3A_347 = arith.mulf %mul3A_345, %mul3A_346 : vector<16x4736xf32>
      %add3A_348 = arith.addf %add3A_336, %mul3A_347 : vector<16x4736xf32>
      %eq3A_349 = arith.constant 20 : i32
      %eq3A_350 = vector.broadcast %eq3A_349 : i32 to vector<1x4736xi32>
      %eq3A_351 = arith.cmpi eq, %add3A_107, %eq3A_350 : vector<1x4736xi32>
      %convert_element_type3A_352 = arith.extui %eq3A_351 : vector<1x4736xi1> to vector<1x4736xi32>
      %convert_element_type3A_353 = arith.sitofp %convert_element_type3A_352 : vector<1x4736xi32> to vector<1x4736xf32>
      %get3A_354 = arith.constant 0 : index
      %get3A_355 = arith.constant 20 : index
      %get3A_356 = vector.load %arg1[%get3A_354, %get3A_355] : memref<16x32xf32, #tpu.memory_space<vmem>>, vector<16x1xf32>
      %mul3A_357 = vector.broadcast %get3A_356 : vector<16x1xf32> to vector<16x4736xf32>
      %mul3A_358 = vector.broadcast %convert_element_type3A_353 : vector<1x4736xf32> to vector<16x4736xf32>
      %mul3A_359 = arith.mulf %mul3A_357, %mul3A_358 : vector<16x4736xf32>
      %add3A_360 = arith.addf %add3A_348, %mul3A_359 : vector<16x4736xf32>
      %eq3A_361 = arith.constant 21 : i32
      %eq3A_362 = vector.broadcast %eq3A_361 : i32 to vector<1x4736xi32>
      %eq3A_363 = arith.cmpi eq, %add3A_107, %eq3A_362 : vector<1x4736xi32>
      %convert_element_type3A_364 = arith.extui %eq3A_363 : vector<1x4736xi1> to vector<1x4736xi32>
      %convert_element_type3A_365 = arith.sitofp %convert_element_type3A_364 : vector<1x4736xi32> to vector<1x4736xf32>
      %get3A_366 = arith.constant 0 : index
      %get3A_367 = arith.constant 21 : index
      %get3A_368 = vector.load %arg1[%get3A_366, %get3A_367] : memref<16x32xf32, #tpu.memory_space<vmem>>, vector<16x1xf32>
      %mul3A_369 = vector.broadcast %get3A_368 : vector<16x1xf32> to vector<16x4736xf32>
      %mul3A_370 = vector.broadcast %convert_element_type3A_365 : vector<1x4736xf32> to vector<16x4736xf32>
      %mul3A_371 = arith.mulf %mul3A_369, %mul3A_370 : vector<16x4736xf32>
      %add3A_372 = arith.addf %add3A_360, %mul3A_371 : vector<16x4736xf32>
      %eq3A_373 = arith.constant 22 : i32
      %eq3A_374 = vector.broadcast %eq3A_373 : i32 to vector<1x4736xi32>
      %eq3A_375 = arith.cmpi eq, %add3A_107, %eq3A_374 : vector<1x4736xi32>
      %convert_element_type3A_376 = arith.extui %eq3A_375 : vector<1x4736xi1> to vector<1x4736xi32>
      %convert_element_type3A_377 = arith.sitofp %convert_element_type3A_376 : vector<1x4736xi32> to vector<1x4736xf32>
      %get3A_378 = arith.constant 0 : index
      %get3A_379 = arith.constant 22 : index
      %get3A_380 = vector.load %arg1[%get3A_378, %get3A_379] : memref<16x32xf32, #tpu.memory_space<vmem>>, vector<16x1xf32>
      %mul3A_381 = vector.broadcast %get3A_380 : vector<16x1xf32> to vector<16x4736xf32>
      %mul3A_382 = vector.broadcast %convert_element_type3A_377 : vector<1x4736xf32> to vector<16x4736xf32>
      %mul3A_383 = arith.mulf %mul3A_381, %mul3A_382 : vector<16x4736xf32>
      %add3A_384 = arith.addf %add3A_372, %mul3A_383 : vector<16x4736xf32>
      %eq3A_385 = arith.constant 23 : i32
      %eq3A_386 = vector.broadcast %eq3A_385 : i32 to vector<1x4736xi32>
      %eq3A_387 = arith.cmpi eq, %add3A_107, %eq3A_386 : vector<1x4736xi32>
      %convert_element_type3A_388 = arith.extui %eq3A_387 : vector<1x4736xi1> to vector<1x4736xi32>
      %convert_element_type3A_389 = arith.sitofp %convert_element_type3A_388 : vector<1x4736xi32> to vector<1x4736xf32>
      %get3A_390 = arith.constant 0 : index
      %get3A_391 = arith.constant 23 : index
      %get3A_392 = vector.load %arg1[%get3A_390, %get3A_391] : memref<16x32xf32, #tpu.memory_space<vmem>>, vector<16x1xf32>
      %mul3A_393 = vector.broadcast %get3A_392 : vector<16x1xf32> to vector<16x4736xf32>
      %mul3A_394 = vector.broadcast %convert_element_type3A_389 : vector<1x4736xf32> to vector<16x4736xf32>
      %mul3A_395 = arith.mulf %mul3A_393, %mul3A_394 : vector<16x4736xf32>
      %add3A_396 = arith.addf %add3A_384, %mul3A_395 : vector<16x4736xf32>
      %eq3A_397 = arith.constant 24 : i32
      %eq3A_398 = vector.broadcast %eq3A_397 : i32 to vector<1x4736xi32>
      %eq3A_399 = arith.cmpi eq, %add3A_107, %eq3A_398 : vector<1x4736xi32>
      %convert_element_type3A_400 = arith.extui %eq3A_399 : vector<1x4736xi1> to vector<1x4736xi32>
      %convert_element_type3A_401 = arith.sitofp %convert_element_type3A_400 : vector<1x4736xi32> to vector<1x4736xf32>
      %get3A_402 = arith.constant 0 : index
      %get3A_403 = arith.constant 24 : index
      %get3A_404 = vector.load %arg1[%get3A_402, %get3A_403] : memref<16x32xf32, #tpu.memory_space<vmem>>, vector<16x1xf32>
      %mul3A_405 = vector.broadcast %get3A_404 : vector<16x1xf32> to vector<16x4736xf32>
      %mul3A_406 = vector.broadcast %convert_element_type3A_401 : vector<1x4736xf32> to vector<16x4736xf32>
      %mul3A_407 = arith.mulf %mul3A_405, %mul3A_406 : vector<16x4736xf32>
      %add3A_408 = arith.addf %add3A_396, %mul3A_407 : vector<16x4736xf32>
      %eq3A_409 = arith.constant 25 : i32
      %eq3A_410 = vector.broadcast %eq3A_409 : i32 to vector<1x4736xi32>
      %eq3A_411 = arith.cmpi eq, %add3A_107, %eq3A_410 : vector<1x4736xi32>
      %convert_element_type3A_412 = arith.extui %eq3A_411 : vector<1x4736xi1> to vector<1x4736xi32>
      %convert_element_type3A_413 = arith.sitofp %convert_element_type3A_412 : vector<1x4736xi32> to vector<1x4736xf32>
      %get3A_414 = arith.constant 0 : index
      %get3A_415 = arith.constant 25 : index
      %get3A_416 = vector.load %arg1[%get3A_414, %get3A_415] : memref<16x32xf32, #tpu.memory_space<vmem>>, vector<16x1xf32>
      %mul3A_417 = vector.broadcast %get3A_416 : vector<16x1xf32> to vector<16x4736xf32>
      %mul3A_418 = vector.broadcast %convert_element_type3A_413 : vector<1x4736xf32> to vector<16x4736xf32>
      %mul3A_419 = arith.mulf %mul3A_417, %mul3A_418 : vector<16x4736xf32>
      %add3A_420 = arith.addf %add3A_408, %mul3A_419 : vector<16x4736xf32>
      %eq3A_421 = arith.constant 26 : i32
      %eq3A_422 = vector.broadcast %eq3A_421 : i32 to vector<1x4736xi32>
      %eq3A_423 = arith.cmpi eq, %add3A_107, %eq3A_422 : vector<1x4736xi32>
      %convert_element_type3A_424 = arith.extui %eq3A_423 : vector<1x4736xi1> to vector<1x4736xi32>
      %convert_element_type3A_425 = arith.sitofp %convert_element_type3A_424 : vector<1x4736xi32> to vector<1x4736xf32>
      %get3A_426 = arith.constant 0 : index
      %get3A_427 = arith.constant 26 : index
      %get3A_428 = vector.load %arg1[%get3A_426, %get3A_427] : memref<16x32xf32, #tpu.memory_space<vmem>>, vector<16x1xf32>
      %mul3A_429 = vector.broadcast %get3A_428 : vector<16x1xf32> to vector<16x4736xf32>
      %mul3A_430 = vector.broadcast %convert_element_type3A_425 : vector<1x4736xf32> to vector<16x4736xf32>
      %mul3A_431 = arith.mulf %mul3A_429, %mul3A_430 : vector<16x4736xf32>
      %add3A_432 = arith.addf %add3A_420, %mul3A_431 : vector<16x4736xf32>
      %eq3A_433 = arith.constant 27 : i32
      %eq3A_434 = vector.broadcast %eq3A_433 : i32 to vector<1x4736xi32>
      %eq3A_435 = arith.cmpi eq, %add3A_107, %eq3A_434 : vector<1x4736xi32>
      %convert_element_type3A_436 = arith.extui %eq3A_435 : vector<1x4736xi1> to vector<1x4736xi32>
      %convert_element_type3A_437 = arith.sitofp %convert_element_type3A_436 : vector<1x4736xi32> to vector<1x4736xf32>
      %get3A_438 = arith.constant 0 : index
      %get3A_439 = arith.constant 27 : index
      %get3A_440 = vector.load %arg1[%get3A_438, %get3A_439] : memref<16x32xf32, #tpu.memory_space<vmem>>, vector<16x1xf32>
      %mul3A_441 = vector.broadcast %get3A_440 : vector<16x1xf32> to vector<16x4736xf32>
      %mul3A_442 = vector.broadcast %convert_element_type3A_437 : vector<1x4736xf32> to vector<16x4736xf32>
      %mul3A_443 = arith.mulf %mul3A_441, %mul3A_442 : vector<16x4736xf32>
      %add3A_444 = arith.addf %add3A_432, %mul3A_443 : vector<16x4736xf32>
      %eq3A_445 = arith.constant 28 : i32
      %eq3A_446 = vector.broadcast %eq3A_445 : i32 to vector<1x4736xi32>
      %eq3A_447 = arith.cmpi eq, %add3A_107, %eq3A_446 : vector<1x4736xi32>
      %convert_element_type3A_448 = arith.extui %eq3A_447 : vector<1x4736xi1> to vector<1x4736xi32>
      %convert_element_type3A_449 = arith.sitofp %convert_element_type3A_448 : vector<1x4736xi32> to vector<1x4736xf32>
      %get3A_450 = arith.constant 0 : index
      %get3A_451 = arith.constant 28 : index
      %get3A_452 = vector.load %arg1[%get3A_450, %get3A_451] : memref<16x32xf32, #tpu.memory_space<vmem>>, vector<16x1xf32>
      %mul3A_453 = vector.broadcast %get3A_452 : vector<16x1xf32> to vector<16x4736xf32>
      %mul3A_454 = vector.broadcast %convert_element_type3A_449 : vector<1x4736xf32> to vector<16x4736xf32>
      %mul3A_455 = arith.mulf %mul3A_453, %mul3A_454 : vector<16x4736xf32>
      %add3A_456 = arith.addf %add3A_444, %mul3A_455 : vector<16x4736xf32>
      %eq3A_457 = arith.constant 29 : i32
      %eq3A_458 = vector.broadcast %eq3A_457 : i32 to vector<1x4736xi32>
      %eq3A_459 = arith.cmpi eq, %add3A_107, %eq3A_458 : vector<1x4736xi32>
      %convert_element_type3A_460 = arith.extui %eq3A_459 : vector<1x4736xi1> to vector<1x4736xi32>
      %convert_element_type3A_461 = arith.sitofp %convert_element_type3A_460 : vector<1x4736xi32> to vector<1x4736xf32>
      %get3A_462 = arith.constant 0 : index
      %get3A_463 = arith.constant 29 : index
      %get3A_464 = vector.load %arg1[%get3A_462, %get3A_463] : memref<16x32xf32, #tpu.memory_space<vmem>>, vector<16x1xf32>
      %mul3A_465 = vector.broadcast %get3A_464 : vector<16x1xf32> to vector<16x4736xf32>
      %mul3A_466 = vector.broadcast %convert_element_type3A_461 : vector<1x4736xf32> to vector<16x4736xf32>
      %mul3A_467 = arith.mulf %mul3A_465, %mul3A_466 : vector<16x4736xf32>
      %add3A_468 = arith.addf %add3A_456, %mul3A_467 : vector<16x4736xf32>
      %eq3A_469 = arith.constant 30 : i32
      %eq3A_470 = vector.broadcast %eq3A_469 : i32 to vector<1x4736xi32>
      %eq3A_471 = arith.cmpi eq, %add3A_107, %eq3A_470 : vector<1x4736xi32>
      %convert_element_type3A_472 = arith.extui %eq3A_471 : vector<1x4736xi1> to vector<1x4736xi32>
      %convert_element_type3A_473 = arith.sitofp %convert_element_type3A_472 : vector<1x4736xi32> to vector<1x4736xf32>
      %get3A_474 = arith.constant 0 : index
      %get3A_475 = arith.constant 30 : index
      %get3A_476 = vector.load %arg1[%get3A_474, %get3A_475] : memref<16x32xf32, #tpu.memory_space<vmem>>, vector<16x1xf32>
      %mul3A_477 = vector.broadcast %get3A_476 : vector<16x1xf32> to vector<16x4736xf32>
      %mul3A_478 = vector.broadcast %convert_element_type3A_473 : vector<1x4736xf32> to vector<16x4736xf32>
      %mul3A_479 = arith.mulf %mul3A_477, %mul3A_478 : vector<16x4736xf32>
      %add3A_480 = arith.addf %add3A_468, %mul3A_479 : vector<16x4736xf32>
      %eq3A_481 = arith.constant 31 : i32
      %eq3A_482 = vector.broadcast %eq3A_481 : i32 to vector<1x4736xi32>
      %eq3A_483 = arith.cmpi eq, %add3A_107, %eq3A_482 : vector<1x4736xi32>
      %convert_element_type3A_484 = arith.extui %eq3A_483 : vector<1x4736xi1> to vector<1x4736xi32>
      %convert_element_type3A_485 = arith.sitofp %convert_element_type3A_484 : vector<1x4736xi32> to vector<1x4736xf32>
      %get3A_486 = arith.constant 0 : index
      %get3A_487 = arith.constant 31 : index
      %get3A_488 = vector.load %arg1[%get3A_486, %get3A_487] : memref<16x32xf32, #tpu.memory_space<vmem>>, vector<16x1xf32>
      %mul3A_489 = vector.broadcast %get3A_488 : vector<16x1xf32> to vector<16x4736xf32>
      %mul3A_490 = vector.broadcast %convert_element_type3A_485 : vector<1x4736xf32> to vector<16x4736xf32>
      %mul3A_491 = arith.mulf %mul3A_489, %mul3A_490 : vector<16x4736xf32>
      %add3A_492 = arith.addf %add3A_480, %mul3A_491 : vector<16x4736xf32>
      %swap3A = arith.constant 0 : index
      %swap3A_493 = arith.constant 0 : index
      %swap3A_494 = vector.load %arg3[%swap3A, %swap3A_493] : memref<16x4736xf32, #tpu.memory_space<vmem>>, vector<16x4736xf32>
      tpu.vector_store %arg3[%swap3A, %swap3A_493], %add3A_492 {strides = array<i32>} : memref<16x4736xf32, #tpu.memory_space<vmem>>, vector<16x4736xf32>,
    } else {
    }
    %eq3A_2 = arith.constant 0 : i32
    %eq3A_3 = arith.cmpi eq, %arg0, %eq3A_2 : i32
    %convert_element_type3A_4 = arith.extui %eq3A_3 : i1 to i32
    %cond3A_5 = arith.constant 0 : i32
    %cond3A_6 = arith.cmpi ne, %convert_element_type3A_4, %cond3A_5 : i32
    scf.if %cond3A_6 {
      %get3A = arith.constant 0 : index
      %get3A_82 = arith.constant 7 : index
      %get3A_83 = vector.load %arg3[%get3A, %get3A_82] : memref<16x4736xf32, #tpu.memory_space<vmem>>, vector<16x4480xf32>
      %swap3A = arith.constant 0 : index
      %swap3A_84 = arith.constant 0 : index
      %swap3A_85 = arith.constant 0 : index
      %swap3A_86 = arith.constant 0 : index
      %swap3A_87 = vector.load %arg2[%swap3A, %swap3A_84, %swap3A_85, %swap3A_86] : memref<1x16x8x4480xf32, #tpu.memory_space<vmem>>, vector<1x16x1x4480xf32>
      %swap3A_88 = vector.shape_cast %swap3A_87 : vector<1x16x1x4480xf32> to vector<16x4480xf32>
      %swap3A_89 = vector.shape_cast %get3A_83 : vector<16x4480xf32> to vector<1x16x1x4480xf32>
      tpu.vector_store %arg2[%swap3A, %swap3A_84, %swap3A_85, %swap3A_86], %swap3A_89 {strides = array<i32>} : memref<1x16x8x4480xf32, #tpu.memory_space<vmem>>, vector<1x16x1x4480xf32>,
      %get3A_90 = arith.constant 0 : index
      %get3A_91 = arith.constant 6 : index
      %get3A_92 = vector.load %arg3[%get3A_90, %get3A_91] : memref<16x4736xf32, #tpu.memory_space<vmem>>, vector<16x4480xf32>
      %swap3A_93 = arith.constant 0 : index
      %swap3A_94 = arith.constant 0 : index
      %swap3A_95 = arith.constant 1 : index
      %swap3A_96 = arith.constant 0 : index
      %swap3A_97 = vector.load %arg2[%swap3A_93, %swap3A_94, %swap3A_95, %swap3A_96] : memref<1x16x8x4480xf32, #tpu.memory_space<vmem>>, vector<1x16x1x4480xf32>
      %swap3A_98 = vector.shape_cast %swap3A_97 : vector<1x16x1x4480xf32> to vector<16x4480xf32>
      %swap3A_99 = vector.shape_cast %get3A_92 : vector<16x4480xf32> to vector<1x16x1x4480xf32>
      tpu.vector_store %arg2[%swap3A_93, %swap3A_94, %swap3A_95, %swap3A_96], %swap3A_99 {strides = array<i32>} : memref<1x16x8x4480xf32, #tpu.memory_space<vmem>>, vector<1x16x1x4480xf32>,
      %get3A_100 = arith.constant 0 : index
      %get3A_101 = arith.constant 5 : index
      %get3A_102 = vector.load %arg3[%get3A_100, %get3A_101] : memref<16x4736xf32, #tpu.memory_space<vmem>>, vector<16x4480xf32>
      %swap3A_103 = arith.constant 0 : index
      %swap3A_104 = arith.constant 0 : index
      %swap3A_105 = arith.constant 2 : index
      %swap3A_106 = arith.constant 0 : index
      %swap3A_107 = vector.load %arg2[%swap3A_103, %swap3A_104, %swap3A_105, %swap3A_106] : memref<1x16x8x4480xf32, #tpu.memory_space<vmem>>, vector<1x16x1x4480xf32>
      %swap3A_108 = vector.shape_cast %swap3A_107 : vector<1x16x1x4480xf32> to vector<16x4480xf32>
      %swap3A_109 = vector.shape_cast %get3A_102 : vector<16x4480xf32> to vector<1x16x1x4480xf32>
      tpu.vector_store %arg2[%swap3A_103, %swap3A_104, %swap3A_105, %swap3A_106], %swap3A_109 {strides = array<i32>} : memref<1x16x8x4480xf32, #tpu.memory_space<vmem>>, vector<1x16x1x4480xf32>,
      %get3A_110 = arith.constant 0 : index
      %get3A_111 = arith.constant 4 : index
      %get3A_112 = vector.load %arg3[%get3A_110, %get3A_111] : memref<16x4736xf32, #tpu.memory_space<vmem>>, vector<16x4480xf32>
      %swap3A_113 = arith.constant 0 : index
      %swap3A_114 = arith.constant 0 : index
      %swap3A_115 = arith.constant 3 : index
      %swap3A_116 = arith.constant 0 : index
      %swap3A_117 = vector.load %arg2[%swap3A_113, %swap3A_114, %swap3A_115, %swap3A_116] : memref<1x16x8x4480xf32, #tpu.memory_space<vmem>>, vector<1x16x1x4480xf32>
      %swap3A_118 = vector.shape_cast %swap3A_117 : vector<1x16x1x4480xf32> to vector<16x4480xf32>
      %swap3A_119 = vector.shape_cast %get3A_112 : vector<16x4480xf32> to vector<1x16x1x4480xf32>
      tpu.vector_store %arg2[%swap3A_113, %swap3A_114, %swap3A_115, %swap3A_116], %swap3A_119 {strides = array<i32>} : memref<1x16x8x4480xf32, #tpu.memory_space<vmem>>, vector<1x16x1x4480xf32>,
      %get3A_120 = arith.constant 0 : index
      %get3A_121 = arith.constant 3 : index
      %get3A_122 = vector.load %arg3[%get3A_120, %get3A_121] : memref<16x4736xf32, #tpu.memory_space<vmem>>, vector<16x4480xf32>
      %swap3A_123 = arith.constant 0 : index
      %swap3A_124 = arith.constant 0 : index
      %swap3A_125 = arith.constant 4 : index
      %swap3A_126 = arith.constant 0 : index
      %swap3A_127 = vector.load %arg2[%swap3A_123, %swap3A_124, %swap3A_125, %swap3A_126] : memref<1x16x8x4480xf32, #tpu.memory_space<vmem>>, vector<1x16x1x4480xf32>
      %swap3A_128 = vector.shape_cast %swap3A_127 : vector<1x16x1x4480xf32> to vector<16x4480xf32>
      %swap3A_129 = vector.shape_cast %get3A_122 : vector<16x4480xf32> to vector<1x16x1x4480xf32>
      tpu.vector_store %arg2[%swap3A_123, %swap3A_124, %swap3A_125, %swap3A_126], %swap3A_129 {strides = array<i32>} : memref<1x16x8x4480xf32, #tpu.memory_space<vmem>>, vector<1x16x1x4480xf32>,
      %get3A_130 = arith.constant 0 : index
      %get3A_131 = arith.constant 2 : index
      %get3A_132 = vector.load %arg3[%get3A_130, %get3A_131] : memref<16x4736xf32, #tpu.memory_space<vmem>>, vector<16x4480xf32>
      %swap3A_133 = arith.constant 0 : index
      %swap3A_134 = arith.constant 0 : index
      %swap3A_135 = arith.constant 5 : index
      %swap3A_136 = arith.constant 0 : index
      %swap3A_137 = vector.load %arg2[%swap3A_133, %swap3A_134, %swap3A_135, %swap3A_136] : memref<1x16x8x4480xf32, #tpu.memory_space<vmem>>, vector<1x16x1x4480xf32>
      %swap3A_138 = vector.shape_cast %swap3A_137 : vector<1x16x1x4480xf32> to vector<16x4480xf32>
      %swap3A_139 = vector.shape_cast %get3A_132 : vector<16x4480xf32> to vector<1x16x1x4480xf32>
      tpu.vector_store %arg2[%swap3A_133, %swap3A_134, %swap3A_135, %swap3A_136], %swap3A_139 {strides = array<i32>} : memref<1x16x8x4480xf32, #tpu.memory_space<vmem>>, vector<1x16x1x4480xf32>,
      %get3A_140 = arith.constant 0 : index
      %get3A_141 = arith.constant 1 : index
      %get3A_142 = vector.load %arg3[%get3A_140, %get3A_141] : memref<16x4736xf32, #tpu.memory_space<vmem>>, vector<16x4480xf32>
      %swap3A_143 = arith.constant 0 : index
      %swap3A_144 = arith.constant 0 : index
      %swap3A_145 = arith.constant 6 : index
      %swap3A_146 = arith.constant 0 : index
      %swap3A_147 = vector.load %arg2[%swap3A_143, %swap3A_144, %swap3A_145, %swap3A_146] : memref<1x16x8x4480xf32, #tpu.memory_space<vmem>>, vector<1x16x1x4480xf32>
      %swap3A_148 = vector.shape_cast %swap3A_147 : vector<1x16x1x4480xf32> to vector<16x4480xf32>
      %swap3A_149 = vector.shape_cast %get3A_142 : vector<16x4480xf32> to vector<1x16x1x4480xf32>
      tpu.vector_store %arg2[%swap3A_143, %swap3A_144, %swap3A_145, %swap3A_146], %swap3A_149 {strides = array<i32>} : memref<1x16x8x4480xf32, #tpu.memory_space<vmem>>, vector<1x16x1x4480xf32>,
      %get3A_150 = arith.constant 0 : index
      %get3A_151 = arith.constant 0 : index
      %get3A_152 = vector.load %arg3[%get3A_150, %get3A_151] : memref<16x4736xf32, #tpu.memory_space<vmem>>, vector<16x4480xf32>
      %swap3A_153 = arith.constant 0 : index
      %swap3A_154 = arith.constant 0 : index
      %swap3A_155 = arith.constant 7 : index
      %swap3A_156 = arith.constant 0 : index
      %swap3A_157 = vector.load %arg2[%swap3A_153, %swap3A_154, %swap3A_155, %swap3A_156] : memref<1x16x8x4480xf32, #tpu.memory_space<vmem>>, vector<1x16x1x4480xf32>
      %swap3A_158 = vector.shape_cast %swap3A_157 : vector<1x16x1x4480xf32> to vector<16x4480xf32>
      %swap3A_159 = vector.shape_cast %get3A_152 : vector<16x4480xf32> to vector<1x16x1x4480xf32>
      tpu.vector_store %arg2[%swap3A_153, %swap3A_154, %swap3A_155, %swap3A_156], %swap3A_159 {strides = array<i32>} : memref<1x16x8x4480xf32, #tpu.memory_space<vmem>>, vector<1x16x1x4480xf32>,
    } else {
    }
    %eq3A_7 = arith.constant 1 : i32
    %eq3A_8 = arith.cmpi eq, %arg0, %eq3A_7 : i32
    %convert_element_type3A_9 = arith.extui %eq3A_8 : i1 to i32
    %cond3A_10 = arith.constant 0 : i32
    %cond3A_11 = arith.cmpi ne, %convert_element_type3A_9, %cond3A_10 : i32
    scf.if %cond3A_11 {
      %get3A = arith.constant 0 : index
      %get3A_82 = arith.constant 15 : index
      %get3A_83 = vector.load %arg3[%get3A, %get3A_82] : memref<16x4736xf32, #tpu.memory_space<vmem>>, vector<16x4480xf32>
      %swap3A = arith.constant 0 : index
      %swap3A_84 = arith.constant 0 : index
      %swap3A_85 = arith.constant 0 : index
      %swap3A_86 = arith.constant 0 : index
      %swap3A_87 = vector.load %arg2[%swap3A, %swap3A_84, %swap3A_85, %swap3A_86] : memref<1x16x8x4480xf32, #tpu.memory_space<vmem>>, vector<1x16x1x4480xf32>
      %swap3A_88 = vector.shape_cast %swap3A_87 : vector<1x16x1x4480xf32> to vector<16x4480xf32>
      %swap3A_89 = vector.shape_cast %get3A_83 : vector<16x4480xf32> to vector<1x16x1x4480xf32>
      tpu.vector_store %arg2[%swap3A, %swap3A_84, %swap3A_85, %swap3A_86], %swap3A_89 {strides = array<i32>} : memref<1x16x8x4480xf32, #tpu.memory_space<vmem>>, vector<1x16x1x4480xf32>,
      %get3A_90 = arith.constant 0 : index
      %get3A_91 = arith.constant 14 : index
      %get3A_92 = vector.load %arg3[%get3A_90, %get3A_91] : memref<16x4736xf32, #tpu.memory_space<vmem>>, vector<16x4480xf32>
      %swap3A_93 = arith.constant 0 : index
      %swap3A_94 = arith.constant 0 : index
      %swap3A_95 = arith.constant 1 : index
      %swap3A_96 = arith.constant 0 : index
      %swap3A_97 = vector.load %arg2[%swap3A_93, %swap3A_94, %swap3A_95, %swap3A_96] : memref<1x16x8x4480xf32, #tpu.memory_space<vmem>>, vector<1x16x1x4480xf32>
      %swap3A_98 = vector.shape_cast %swap3A_97 : vector<1x16x1x4480xf32> to vector<16x4480xf32>
      %swap3A_99 = vector.shape_cast %get3A_92 : vector<16x4480xf32> to vector<1x16x1x4480xf32>
      tpu.vector_store %arg2[%swap3A_93, %swap3A_94, %swap3A_95, %swap3A_96], %swap3A_99 {strides = array<i32>} : memref<1x16x8x4480xf32, #tpu.memory_space<vmem>>, vector<1x16x1x4480xf32>,
      %get3A_100 = arith.constant 0 : index
      %get3A_101 = arith.constant 13 : index
      %get3A_102 = vector.load %arg3[%get3A_100, %get3A_101] : memref<16x4736xf32, #tpu.memory_space<vmem>>, vector<16x4480xf32>
      %swap3A_103 = arith.constant 0 : index
      %swap3A_104 = arith.constant 0 : index
      %swap3A_105 = arith.constant 2 : index
      %swap3A_106 = arith.constant 0 : index
      %swap3A_107 = vector.load %arg2[%swap3A_103, %swap3A_104, %swap3A_105, %swap3A_106] : memref<1x16x8x4480xf32, #tpu.memory_space<vmem>>, vector<1x16x1x4480xf32>
      %swap3A_108 = vector.shape_cast %swap3A_107 : vector<1x16x1x4480xf32> to vector<16x4480xf32>
      %swap3A_109 = vector.shape_cast %get3A_102 : vector<16x4480xf32> to vector<1x16x1x4480xf32>
      tpu.vector_store %arg2[%swap3A_103, %swap3A_104, %swap3A_105, %swap3A_106], %swap3A_109 {strides = array<i32>} : memref<1x16x8x4480xf32, #tpu.memory_space<vmem>>, vector<1x16x1x4480xf32>,
      %get3A_110 = arith.constant 0 : index
      %get3A_111 = arith.constant 12 : index
      %get3A_112 = vector.load %arg3[%get3A_110, %get3A_111] : memref<16x4736xf32, #tpu.memory_space<vmem>>, vector<16x4480xf32>
      %swap3A_113 = arith.constant 0 : index
      %swap3A_114 = arith.constant 0 : index
      %swap3A_115 = arith.constant 3 : index
      %swap3A_116 = arith.constant 0 : index
      %swap3A_117 = vector.load %arg2[%swap3A_113, %swap3A_114, %swap3A_115, %swap3A_116] : memref<1x16x8x4480xf32, #tpu.memory_space<vmem>>, vector<1x16x1x4480xf32>
      %swap3A_118 = vector.shape_cast %swap3A_117 : vector<1x16x1x4480xf32> to vector<16x4480xf32>
      %swap3A_119 = vector.shape_cast %get3A_112 : vector<16x4480xf32> to vector<1x16x1x4480xf32>
      tpu.vector_store %arg2[%swap3A_113, %swap3A_114, %swap3A_115, %swap3A_116], %swap3A_119 {strides = array<i32>} : memref<1x16x8x4480xf32, #tpu.memory_space<vmem>>, vector<1x16x1x4480xf32>,
      %get3A_120 = arith.constant 0 : index
      %get3A_121 = arith.constant 11 : index
      %get3A_122 = vector.load %arg3[%get3A_120, %get3A_121] : memref<16x4736xf32, #tpu.memory_space<vmem>>, vector<16x4480xf32>
      %swap3A_123 = arith.constant 0 : index
      %swap3A_124 = arith.constant 0 : index
      %swap3A_125 = arith.constant 4 : index
      %swap3A_126 = arith.constant 0 : index
      %swap3A_127 = vector.load %arg2[%swap3A_123, %swap3A_124, %swap3A_125, %swap3A_126] : memref<1x16x8x4480xf32, #tpu.memory_space<vmem>>, vector<1x16x1x4480xf32>
      %swap3A_128 = vector.shape_cast %swap3A_127 : vector<1x16x1x4480xf32> to vector<16x4480xf32>
      %swap3A_129 = vector.shape_cast %get3A_122 : vector<16x4480xf32> to vector<1x16x1x4480xf32>
      tpu.vector_store %arg2[%swap3A_123, %swap3A_124, %swap3A_125, %swap3A_126], %swap3A_129 {strides = array<i32>} : memref<1x16x8x4480xf32, #tpu.memory_space<vmem>>, vector<1x16x1x4480xf32>,
      %get3A_130 = arith.constant 0 : index
      %get3A_131 = arith.constant 10 : index
      %get3A_132 = vector.load %arg3[%get3A_130, %get3A_131] : memref<16x4736xf32, #tpu.memory_space<vmem>>, vector<16x4480xf32>
      %swap3A_133 = arith.constant 0 : index
      %swap3A_134 = arith.constant 0 : index
      %swap3A_135 = arith.constant 5 : index
      %swap3A_136 = arith.constant 0 : index
      %swap3A_137 = vector.load %arg2[%swap3A_133, %swap3A_134, %swap3A_135, %swap3A_136] : memref<1x16x8x4480xf32, #tpu.memory_space<vmem>>, vector<1x16x1x4480xf32>
      %swap3A_138 = vector.shape_cast %swap3A_137 : vector<1x16x1x4480xf32> to vector<16x4480xf32>
      %swap3A_139 = vector.shape_cast %get3A_132 : vector<16x4480xf32> to vector<1x16x1x4480xf32>
      tpu.vector_store %arg2[%swap3A_133, %swap3A_134, %swap3A_135, %swap3A_136], %swap3A_139 {strides = array<i32>} : memref<1x16x8x4480xf32, #tpu.memory_space<vmem>>, vector<1x16x1x4480xf32>,
      %get3A_140 = arith.constant 0 : index
      %get3A_141 = arith.constant 9 : index
      %get3A_142 = vector.load %arg3[%get3A_140, %get3A_141] : memref<16x4736xf32, #tpu.memory_space<vmem>>, vector<16x4480xf32>
      %swap3A_143 = arith.constant 0 : index
      %swap3A_144 = arith.constant 0 : index
      %swap3A_145 = arith.constant 6 : index
      %swap3A_146 = arith.constant 0 : index
      %swap3A_147 = vector.load %arg2[%swap3A_143, %swap3A_144, %swap3A_145, %swap3A_146] : memref<1x16x8x4480xf32, #tpu.memory_space<vmem>>, vector<1x16x1x4480xf32>
      %swap3A_148 = vector.shape_cast %swap3A_147 : vector<1x16x1x4480xf32> to vector<16x4480xf32>
      %swap3A_149 = vector.shape_cast %get3A_142 : vector<16x4480xf32> to vector<1x16x1x4480xf32>
      tpu.vector_store %arg2[%swap3A_143, %swap3A_144, %swap3A_145, %swap3A_146], %swap3A_149 {strides = array<i32>} : memref<1x16x8x4480xf32, #tpu.memory_space<vmem>>, vector<1x16x1x4480xf32>,
      %get3A_150 = arith.constant 0 : index
      %get3A_151 = arith.constant 8 : index
      %get3A_152 = vector.load %arg3[%get3A_150, %get3A_151] : memref<16x4736xf32, #tpu.memory_space<vmem>>, vector<16x4480xf32>
      %swap3A_153 = arith.constant 0 : index
      %swap3A_154 = arith.constant 0 : index
      %swap3A_155 = arith.constant 7 : index
      %swap3A_156 = arith.constant 0 : index
      %swap3A_157 = vector.load %arg2[%swap3A_153, %swap3A_154, %swap3A_155, %swap3A_156] : memref<1x16x8x4480xf32, #tpu.memory_space<vmem>>, vector<1x16x1x4480xf32>
      %swap3A_158 = vector.shape_cast %swap3A_157 : vector<1x16x1x4480xf32> to vector<16x4480xf32>
      %swap3A_159 = vector.shape_cast %get3A_152 : vector<16x4480xf32> to vector<1x16x1x4480xf32>
      tpu.vector_store %arg2[%swap3A_153, %swap3A_154, %swap3A_155, %swap3A_156], %swap3A_159 {strides = array<i32>} : memref<1x16x8x4480xf32, #tpu.memory_space<vmem>>, vector<1x16x1x4480xf32>,
    } else {
    }
    %eq3A_12 = arith.constant 2 : i32
    %eq3A_13 = arith.cmpi eq, %arg0, %eq3A_12 : i32
    %convert_element_type3A_14 = arith.extui %eq3A_13 : i1 to i32
    %cond3A_15 = arith.constant 0 : i32
    %cond3A_16 = arith.cmpi ne, %convert_element_type3A_14, %cond3A_15 : i32
    scf.if %cond3A_16 {
      %get3A = arith.constant 0 : index
      %get3A_82 = arith.constant 23 : index
      %get3A_83 = vector.load %arg3[%get3A, %get3A_82] : memref<16x4736xf32, #tpu.memory_space<vmem>>, vector<16x4480xf32>
      %swap3A = arith.constant 0 : index
      %swap3A_84 = arith.constant 0 : index
      %swap3A_85 = arith.constant 0 : index
      %swap3A_86 = arith.constant 0 : index
      %swap3A_87 = vector.load %arg2[%swap3A, %swap3A_84, %swap3A_85, %swap3A_86] : memref<1x16x8x4480xf32, #tpu.memory_space<vmem>>, vector<1x16x1x4480xf32>
      %swap3A_88 = vector.shape_cast %swap3A_87 : vector<1x16x1x4480xf32> to vector<16x4480xf32>
      %swap3A_89 = vector.shape_cast %get3A_83 : vector<16x4480xf32> to vector<1x16x1x4480xf32>
      tpu.vector_store %arg2[%swap3A, %swap3A_84, %swap3A_85, %swap3A_86], %swap3A_89 {strides = array<i32>} : memref<1x16x8x4480xf32, #tpu.memory_space<vmem>>, vector<1x16x1x4480xf32>,
      %get3A_90 = arith.constant 0 : index
      %get3A_91 = arith.constant 22 : index
      %get3A_92 = vector.load %arg3[%get3A_90, %get3A_91] : memref<16x4736xf32, #tpu.memory_space<vmem>>, vector<16x4480xf32>
      %swap3A_93 = arith.constant 0 : index
      %swap3A_94 = arith.constant 0 : index
      %swap3A_95 = arith.constant 1 : index
      %swap3A_96 = arith.constant 0 : index
      %swap3A_97 = vector.load %arg2[%swap3A_93, %swap3A_94, %swap3A_95, %swap3A_96] : memref<1x16x8x4480xf32, #tpu.memory_space<vmem>>, vector<1x16x1x4480xf32>
      %swap3A_98 = vector.shape_cast %swap3A_97 : vector<1x16x1x4480xf32> to vector<16x4480xf32>
      %swap3A_99 = vector.shape_cast %get3A_92 : vector<16x4480xf32> to vector<1x16x1x4480xf32>
      tpu.vector_store %arg2[%swap3A_93, %swap3A_94, %swap3A_95, %swap3A_96], %swap3A_99 {strides = array<i32>} : memref<1x16x8x4480xf32, #tpu.memory_space<vmem>>, vector<1x16x1x4480xf32>,
      %get3A_100 = arith.constant 0 : index
      %get3A_101 = arith.constant 21 : index
      %get3A_102 = vector.load %arg3[%get3A_100, %get3A_101] : memref<16x4736xf32, #tpu.memory_space<vmem>>, vector<16x4480xf32>
      %swap3A_103 = arith.constant 0 : index
      %swap3A_104 = arith.constant 0 : index
      %swap3A_105 = arith.constant 2 : index
      %swap3A_106 = arith.constant 0 : index
      %swap3A_107 = vector.load %arg2[%swap3A_103, %swap3A_104, %swap3A_105, %swap3A_106] : memref<1x16x8x4480xf32, #tpu.memory_space<vmem>>, vector<1x16x1x4480xf32>
      %swap3A_108 = vector.shape_cast %swap3A_107 : vector<1x16x1x4480xf32> to vector<16x4480xf32>
      %swap3A_109 = vector.shape_cast %get3A_102 : vector<16x4480xf32> to vector<1x16x1x4480xf32>
      tpu.vector_store %arg2[%swap3A_103, %swap3A_104, %swap3A_105, %swap3A_106], %swap3A_109 {strides = array<i32>} : memref<1x16x8x4480xf32, #tpu.memory_space<vmem>>, vector<1x16x1x4480xf32>,
      %get3A_110 = arith.constant 0 : index
      %get3A_111 = arith.constant 20 : index
      %get3A_112 = vector.load %arg3[%get3A_110, %get3A_111] : memref<16x4736xf32, #tpu.memory_space<vmem>>, vector<16x4480xf32>
      %swap3A_113 = arith.constant 0 : index
      %swap3A_114 = arith.constant 0 : index
      %swap3A_115 = arith.constant 3 : index
      %swap3A_116 = arith.constant 0 : index
      %swap3A_117 = vector.load %arg2[%swap3A_113, %swap3A_114, %swap3A_115, %swap3A_116] : memref<1x16x8x4480xf32, #tpu.memory_space<vmem>>, vector<1x16x1x4480xf32>
      %swap3A_118 = vector.shape_cast %swap3A_117 : vector<1x16x1x4480xf32> to vector<16x4480xf32>
      %swap3A_119 = vector.shape_cast %get3A_112 : vector<16x4480xf32> to vector<1x16x1x4480xf32>
      tpu.vector_store %arg2[%swap3A_113, %swap3A_114, %swap3A_115, %swap3A_116], %swap3A_119 {strides = array<i32>} : memref<1x16x8x4480xf32, #tpu.memory_space<vmem>>, vector<1x16x1x4480xf32>,
      %get3A_120 = arith.constant 0 : index
      %get3A_121 = arith.constant 19 : index
      %get3A_122 = vector.load %arg3[%get3A_120, %get3A_121] : memref<16x4736xf32, #tpu.memory_space<vmem>>, vector<16x4480xf32>
      %swap3A_123 = arith.constant 0 : index
      %swap3A_124 = arith.constant 0 : index
      %swap3A_125 = arith.constant 4 : index
      %swap3A_126 = arith.constant 0 : index
      %swap3A_127 = vector.load %arg2[%swap3A_123, %swap3A_124, %swap3A_125, %swap3A_126] : memref<1x16x8x4480xf32, #tpu.memory_space<vmem>>, vector<1x16x1x4480xf32>
      %swap3A_128 = vector.shape_cast %swap3A_127 : vector<1x16x1x4480xf32> to vector<16x4480xf32>
      %swap3A_129 = vector.shape_cast %get3A_122 : vector<16x4480xf32> to vector<1x16x1x4480xf32>
      tpu.vector_store %arg2[%swap3A_123, %swap3A_124, %swap3A_125, %swap3A_126], %swap3A_129 {strides = array<i32>} : memref<1x16x8x4480xf32, #tpu.memory_space<vmem>>, vector<1x16x1x4480xf32>,
      %get3A_130 = arith.constant 0 : index
      %get3A_131 = arith.constant 18 : index
      %get3A_132 = vector.load %arg3[%get3A_130, %get3A_131] : memref<16x4736xf32, #tpu.memory_space<vmem>>, vector<16x4480xf32>
      %swap3A_133 = arith.constant 0 : index
      %swap3A_134 = arith.constant 0 : index
      %swap3A_135 = arith.constant 5 : index
      %swap3A_136 = arith.constant 0 : index
      %swap3A_137 = vector.load %arg2[%swap3A_133, %swap3A_134, %swap3A_135, %swap3A_136] : memref<1x16x8x4480xf32, #tpu.memory_space<vmem>>, vector<1x16x1x4480xf32>
      %swap3A_138 = vector.shape_cast %swap3A_137 : vector<1x16x1x4480xf32> to vector<16x4480xf32>
      %swap3A_139 = vector.shape_cast %get3A_132 : vector<16x4480xf32> to vector<1x16x1x4480xf32>
      tpu.vector_store %arg2[%swap3A_133, %swap3A_134, %swap3A_135, %swap3A_136], %swap3A_139 {strides = array<i32>} : memref<1x16x8x4480xf32, #tpu.memory_space<vmem>>, vector<1x16x1x4480xf32>,
      %get3A_140 = arith.constant 0 : index
      %get3A_141 = arith.constant 17 : index
      %get3A_142 = vector.load %arg3[%get3A_140, %get3A_141] : memref<16x4736xf32, #tpu.memory_space<vmem>>, vector<16x4480xf32>
      %swap3A_143 = arith.constant 0 : index
      %swap3A_144 = arith.constant 0 : index
      %swap3A_145 = arith.constant 6 : index
      %swap3A_146 = arith.constant 0 : index
      %swap3A_147 = vector.load %arg2[%swap3A_143, %swap3A_144, %swap3A_145, %swap3A_146] : memref<1x16x8x4480xf32, #tpu.memory_space<vmem>>, vector<1x16x1x4480xf32>
      %swap3A_148 = vector.shape_cast %swap3A_147 : vector<1x16x1x4480xf32> to vector<16x4480xf32>
      %swap3A_149 = vector.shape_cast %get3A_142 : vector<16x4480xf32> to vector<1x16x1x4480xf32>
      tpu.vector_store %arg2[%swap3A_143, %swap3A_144, %swap3A_145, %swap3A_146], %swap3A_149 {strides = array<i32>} : memref<1x16x8x4480xf32, #tpu.memory_space<vmem>>, vector<1x16x1x4480xf32>,
      %get3A_150 = arith.constant 0 : index
      %get3A_151 = arith.constant 16 : index
      %get3A_152 = vector.load %arg3[%get3A_150, %get3A_151] : memref<16x4736xf32, #tpu.memory_space<vmem>>, vector<16x4480xf32>
      %swap3A_153 = arith.constant 0 : index
      %swap3A_154 = arith.constant 0 : index
      %swap3A_155 = arith.constant 7 : index
      %swap3A_156 = arith.constant 0 : index
      %swap3A_157 = vector.load %arg2[%swap3A_153, %swap3A_154, %swap3A_155, %swap3A_156] : memref<1x16x8x4480xf32, #tpu.memory_space<vmem>>, vector<1x16x1x4480xf32>
      %swap3A_158 = vector.shape_cast %swap3A_157 : vector<1x16x1x4480xf32> to vector<16x4480xf32>
      %swap3A_159 = vector.shape_cast %get3A_152 : vector<16x4480xf32> to vector<1x16x1x4480xf32>
      tpu.vector_store %arg2[%swap3A_153, %swap3A_154, %swap3A_155, %swap3A_156], %swap3A_159 {strides = array<i32>} : memref<1x16x8x4480xf32, #tpu.memory_space<vmem>>, vector<1x16x1x4480xf32>,
    } else {
    }
    %eq3A_17 = arith.constant 3 : i32
    %eq3A_18 = arith.cmpi eq, %arg0, %eq3A_17 : i32
    %convert_element_type3A_19 = arith.extui %eq3A_18 : i1 to i32
    %cond3A_20 = arith.constant 0 : i32
    %cond3A_21 = arith.cmpi ne, %convert_element_type3A_19, %cond3A_20 : i32
    scf.if %cond3A_21 {
      %get3A = arith.constant 0 : index
      %get3A_82 = arith.constant 31 : index
      %get3A_83 = vector.load %arg3[%get3A, %get3A_82] : memref<16x4736xf32, #tpu.memory_space<vmem>>, vector<16x4480xf32>
      %swap3A = arith.constant 0 : index
      %swap3A_84 = arith.constant 0 : index
      %swap3A_85 = arith.constant 0 : index
      %swap3A_86 = arith.constant 0 : index
      %swap3A_87 = vector.load %arg2[%swap3A, %swap3A_84, %swap3A_85, %swap3A_86] : memref<1x16x8x4480xf32, #tpu.memory_space<vmem>>, vector<1x16x1x4480xf32>
      %swap3A_88 = vector.shape_cast %swap3A_87 : vector<1x16x1x4480xf32> to vector<16x4480xf32>
      %swap3A_89 = vector.shape_cast %get3A_83 : vector<16x4480xf32> to vector<1x16x1x4480xf32>
      tpu.vector_store %arg2[%swap3A, %swap3A_84, %swap3A_85, %swap3A_86], %swap3A_89 {strides = array<i32>} : memref<1x16x8x4480xf32, #tpu.memory_space<vmem>>, vector<1x16x1x4480xf32>,
      %get3A_90 = arith.constant 0 : index
      %get3A_91 = arith.constant 30 : index
      %get3A_92 = vector.load %arg3[%get3A_90, %get3A_91] : memref<16x4736xf32, #tpu.memory_space<vmem>>, vector<16x4480xf32>
      %swap3A_93 = arith.constant 0 : index
      %swap3A_94 = arith.constant 0 : index
      %swap3A_95 = arith.constant 1 : index
      %swap3A_96 = arith.constant 0 : index
      %swap3A_97 = vector.load %arg2[%swap3A_93, %swap3A_94, %swap3A_95, %swap3A_96] : memref<1x16x8x4480xf32, #tpu.memory_space<vmem>>, vector<1x16x1x4480xf32>
      %swap3A_98 = vector.shape_cast %swap3A_97 : vector<1x16x1x4480xf32> to vector<16x4480xf32>
      %swap3A_99 = vector.shape_cast %get3A_92 : vector<16x4480xf32> to vector<1x16x1x4480xf32>
      tpu.vector_store %arg2[%swap3A_93, %swap3A_94, %swap3A_95, %swap3A_96], %swap3A_99 {strides = array<i32>} : memref<1x16x8x4480xf32, #tpu.memory_space<vmem>>, vector<1x16x1x4480xf32>,
      %get3A_100 = arith.constant 0 : index
      %get3A_101 = arith.constant 29 : index
      %get3A_102 = vector.load %arg3[%get3A_100, %get3A_101] : memref<16x4736xf32, #tpu.memory_space<vmem>>, vector<16x4480xf32>
      %swap3A_103 = arith.constant 0 : index
      %swap3A_104 = arith.constant 0 : index
      %swap3A_105 = arith.constant 2 : index
      %swap3A_106 = arith.constant 0 : index
      %swap3A_107 = vector.load %arg2[%swap3A_103, %swap3A_104, %swap3A_105, %swap3A_106] : memref<1x16x8x4480xf32, #tpu.memory_space<vmem>>, vector<1x16x1x4480xf32>
      %swap3A_108 = vector.shape_cast %swap3A_107 : vector<1x16x1x4480xf32> to vector<16x4480xf32>
      %swap3A_109 = vector.shape_cast %get3A_102 : vector<16x4480xf32> to vector<1x16x1x4480xf32>
      tpu.vector_store %arg2[%swap3A_103, %swap3A_104, %swap3A_105, %swap3A_106], %swap3A_109 {strides = array<i32>} : memref<1x16x8x4480xf32, #tpu.memory_space<vmem>>, vector<1x16x1x4480xf32>,
      %get3A_110 = arith.constant 0 : index
      %get3A_111 = arith.constant 28 : index
      %get3A_112 = vector.load %arg3[%get3A_110, %get3A_111] : memref<16x4736xf32, #tpu.memory_space<vmem>>, vector<16x4480xf32>
      %swap3A_113 = arith.constant 0 : index
      %swap3A_114 = arith.constant 0 : index
      %swap3A_115 = arith.constant 3 : index
      %swap3A_116 = arith.constant 0 : index
      %swap3A_117 = vector.load %arg2[%swap3A_113, %swap3A_114, %swap3A_115, %swap3A_116] : memref<1x16x8x4480xf32, #tpu.memory_space<vmem>>, vector<1x16x1x4480xf32>
      %swap3A_118 = vector.shape_cast %swap3A_117 : vector<1x16x1x4480xf32> to vector<16x4480xf32>
      %swap3A_119 = vector.shape_cast %get3A_112 : vector<16x4480xf32> to vector<1x16x1x4480xf32>
      tpu.vector_store %arg2[%swap3A_113, %swap3A_114, %swap3A_115, %swap3A_116], %swap3A_119 {strides = array<i32>} : memref<1x16x8x4480xf32, #tpu.memory_space<vmem>>, vector<1x16x1x4480xf32>,
      %get3A_120 = arith.constant 0 : index
      %get3A_121 = arith.constant 27 : index
      %get3A_122 = vector.load %arg3[%get3A_120, %get3A_121] : memref<16x4736xf32, #tpu.memory_space<vmem>>, vector<16x4480xf32>
      %swap3A_123 = arith.constant 0 : index
      %swap3A_124 = arith.constant 0 : index
      %swap3A_125 = arith.constant 4 : index
      %swap3A_126 = arith.constant 0 : index
      %swap3A_127 = vector.load %arg2[%swap3A_123, %swap3A_124, %swap3A_125, %swap3A_126] : memref<1x16x8x4480xf32, #tpu.memory_space<vmem>>, vector<1x16x1x4480xf32>
      %swap3A_128 = vector.shape_cast %swap3A_127 : vector<1x16x1x4480xf32> to vector<16x4480xf32>
      %swap3A_129 = vector.shape_cast %get3A_122 : vector<16x4480xf32> to vector<1x16x1x4480xf32>
      tpu.vector_store %arg2[%swap3A_123, %swap3A_124, %swap3A_125, %swap3A_126], %swap3A_129 {strides = array<i32>} : memref<1x16x8x4480xf32, #tpu.memory_space<vmem>>, vector<1x16x1x4480xf32>,
      %get3A_130 = arith.constant 0 : index
      %get3A_131 = arith.constant 26 : index
      %get3A_132 = vector.load %arg3[%get3A_130, %get3A_131] : memref<16x4736xf32, #tpu.memory_space<vmem>>, vector<16x4480xf32>
      %swap3A_133 = arith.constant 0 : index
      %swap3A_134 = arith.constant 0 : index
      %swap3A_135 = arith.constant 5 : index
      %swap3A_136 = arith.constant 0 : index
      %swap3A_137 = vector.load %arg2[%swap3A_133, %swap3A_134, %swap3A_135, %swap3A_136] : memref<1x16x8x4480xf32, #tpu.memory_space<vmem>>, vector<1x16x1x4480xf32>
      %swap3A_138 = vector.shape_cast %swap3A_137 : vector<1x16x1x4480xf32> to vector<16x4480xf32>
      %swap3A_139 = vector.shape_cast %get3A_132 : vector<16x4480xf32> to vector<1x16x1x4480xf32>
      tpu.vector_store %arg2[%swap3A_133, %swap3A_134, %swap3A_135, %swap3A_136], %swap3A_139 {strides = array<i32>} : memref<1x16x8x4480xf32, #tpu.memory_space<vmem>>, vector<1x16x1x4480xf32>,
      %get3A_140 = arith.constant 0 : index
      %get3A_141 = arith.constant 25 : index
      %get3A_142 = vector.load %arg3[%get3A_140, %get3A_141] : memref<16x4736xf32, #tpu.memory_space<vmem>>, vector<16x4480xf32>
      %swap3A_143 = arith.constant 0 : index
      %swap3A_144 = arith.constant 0 : index
      %swap3A_145 = arith.constant 6 : index
      %swap3A_146 = arith.constant 0 : index
      %swap3A_147 = vector.load %arg2[%swap3A_143, %swap3A_144, %swap3A_145, %swap3A_146] : memref<1x16x8x4480xf32, #tpu.memory_space<vmem>>, vector<1x16x1x4480xf32>
      %swap3A_148 = vector.shape_cast %swap3A_147 : vector<1x16x1x4480xf32> to vector<16x4480xf32>
      %swap3A_149 = vector.shape_cast %get3A_142 : vector<16x4480xf32> to vector<1x16x1x4480xf32>
      tpu.vector_store %arg2[%swap3A_143, %swap3A_144, %swap3A_145, %swap3A_146], %swap3A_149 {strides = array<i32>} : memref<1x16x8x4480xf32, #tpu.memory_space<vmem>>, vector<1x16x1x4480xf32>,
      %get3A_150 = arith.constant 0 : index
      %get3A_151 = arith.constant 24 : index
      %get3A_152 = vector.load %arg3[%get3A_150, %get3A_151] : memref<16x4736xf32, #tpu.memory_space<vmem>>, vector<16x4480xf32>
      %swap3A_153 = arith.constant 0 : index
      %swap3A_154 = arith.constant 0 : index
      %swap3A_155 = arith.constant 7 : index
      %swap3A_156 = arith.constant 0 : index
      %swap3A_157 = vector.load %arg2[%swap3A_153, %swap3A_154, %swap3A_155, %swap3A_156] : memref<1x16x8x4480xf32, #tpu.memory_space<vmem>>, vector<1x16x1x4480xf32>
      %swap3A_158 = vector.shape_cast %swap3A_157 : vector<1x16x1x4480xf32> to vector<16x4480xf32>
      %swap3A_159 = vector.shape_cast %get3A_152 : vector<16x4480xf32> to vector<1x16x1x4480xf32>
      tpu.vector_store %arg2[%swap3A_153, %swap3A_154, %swap3A_155, %swap3A_156], %swap3A_159 {strides = array<i32>} : memref<1x16x8x4480xf32, #tpu.memory_space<vmem>>, vector<1x16x1x4480xf32>,
    } else {
    }
    %eq3A_22 = arith.constant 4 : i32
    %eq3A_23 = arith.cmpi eq, %arg0, %eq3A_22 : i32
    %convert_element_type3A_24 = arith.extui %eq3A_23 : i1 to i32
    %cond3A_25 = arith.constant 0 : i32
    %cond3A_26 = arith.cmpi ne, %convert_element_type3A_24, %cond3A_25 : i32
    scf.if %cond3A_26 {
      %get3A = arith.constant 0 : index
      %get3A_82 = arith.constant 39 : index
      %get3A_83 = vector.load %arg3[%get3A, %get3A_82] : memref<16x4736xf32, #tpu.memory_space<vmem>>, vector<16x4480xf32>
      %swap3A = arith.constant 0 : index
      %swap3A_84 = arith.constant 0 : index
      %swap3A_85 = arith.constant 0 : index
      %swap3A_86 = arith.constant 0 : index
      %swap3A_87 = vector.load %arg2[%swap3A, %swap3A_84, %swap3A_85, %swap3A_86] : memref<1x16x8x4480xf32, #tpu.memory_space<vmem>>, vector<1x16x1x4480xf32>
      %swap3A_88 = vector.shape_cast %swap3A_87 : vector<1x16x1x4480xf32> to vector<16x4480xf32>
      %swap3A_89 = vector.shape_cast %get3A_83 : vector<16x4480xf32> to vector<1x16x1x4480xf32>
      tpu.vector_store %arg2[%swap3A, %swap3A_84, %swap3A_85, %swap3A_86], %swap3A_89 {strides = array<i32>} : memref<1x16x8x4480xf32, #tpu.memory_space<vmem>>, vector<1x16x1x4480xf32>,
      %get3A_90 = arith.constant 0 : index
      %get3A_91 = arith.constant 38 : index
      %get3A_92 = vector.load %arg3[%get3A_90, %get3A_91] : memref<16x4736xf32, #tpu.memory_space<vmem>>, vector<16x4480xf32>
      %swap3A_93 = arith.constant 0 : index
      %swap3A_94 = arith.constant 0 : index
      %swap3A_95 = arith.constant 1 : index
      %swap3A_96 = arith.constant 0 : index
      %swap3A_97 = vector.load %arg2[%swap3A_93, %swap3A_94, %swap3A_95, %swap3A_96] : memref<1x16x8x4480xf32, #tpu.memory_space<vmem>>, vector<1x16x1x4480xf32>
      %swap3A_98 = vector.shape_cast %swap3A_97 : vector<1x16x1x4480xf32> to vector<16x4480xf32>
      %swap3A_99 = vector.shape_cast %get3A_92 : vector<16x4480xf32> to vector<1x16x1x4480xf32>
      tpu.vector_store %arg2[%swap3A_93, %swap3A_94, %swap3A_95, %swap3A_96], %swap3A_99 {strides = array<i32>} : memref<1x16x8x4480xf32, #tpu.memory_space<vmem>>, vector<1x16x1x4480xf32>,
      %get3A_100 = arith.constant 0 : index
      %get3A_101 = arith.constant 37 : index
      %get3A_102 = vector.load %arg3[%get3A_100, %get3A_101] : memref<16x4736xf32, #tpu.memory_space<vmem>>, vector<16x4480xf32>
      %swap3A_103 = arith.constant 0 : index
      %swap3A_104 = arith.constant 0 : index
      %swap3A_105 = arith.constant 2 : index
      %swap3A_106 = arith.constant 0 : index
      %swap3A_107 = vector.load %arg2[%swap3A_103, %swap3A_104, %swap3A_105, %swap3A_106] : memref<1x16x8x4480xf32, #tpu.memory_space<vmem>>, vector<1x16x1x4480xf32>
      %swap3A_108 = vector.shape_cast %swap3A_107 : vector<1x16x1x4480xf32> to vector<16x4480xf32>
      %swap3A_109 = vector.shape_cast %get3A_102 : vector<16x4480xf32> to vector<1x16x1x4480xf32>
      tpu.vector_store %arg2[%swap3A_103, %swap3A_104, %swap3A_105, %swap3A_106], %swap3A_109 {strides = array<i32>} : memref<1x16x8x4480xf32, #tpu.memory_space<vmem>>, vector<1x16x1x4480xf32>,
      %get3A_110 = arith.constant 0 : index
      %get3A_111 = arith.constant 36 : index
      %get3A_112 = vector.load %arg3[%get3A_110, %get3A_111] : memref<16x4736xf32, #tpu.memory_space<vmem>>, vector<16x4480xf32>
      %swap3A_113 = arith.constant 0 : index
      %swap3A_114 = arith.constant 0 : index
      %swap3A_115 = arith.constant 3 : index
      %swap3A_116 = arith.constant 0 : index
      %swap3A_117 = vector.load %arg2[%swap3A_113, %swap3A_114, %swap3A_115, %swap3A_116] : memref<1x16x8x4480xf32, #tpu.memory_space<vmem>>, vector<1x16x1x4480xf32>
      %swap3A_118 = vector.shape_cast %swap3A_117 : vector<1x16x1x4480xf32> to vector<16x4480xf32>
      %swap3A_119 = vector.shape_cast %get3A_112 : vector<16x4480xf32> to vector<1x16x1x4480xf32>
      tpu.vector_store %arg2[%swap3A_113, %swap3A_114, %swap3A_115, %swap3A_116], %swap3A_119 {strides = array<i32>} : memref<1x16x8x4480xf32, #tpu.memory_space<vmem>>, vector<1x16x1x4480xf32>,
      %get3A_120 = arith.constant 0 : index
      %get3A_121 = arith.constant 35 : index
      %get3A_122 = vector.load %arg3[%get3A_120, %get3A_121] : memref<16x4736xf32, #tpu.memory_space<vmem>>, vector<16x4480xf32>
      %swap3A_123 = arith.constant 0 : index
      %swap3A_124 = arith.constant 0 : index
      %swap3A_125 = arith.constant 4 : index
      %swap3A_126 = arith.constant 0 : index
      %swap3A_127 = vector.load %arg2[%swap3A_123, %swap3A_124, %swap3A_125, %swap3A_126] : memref<1x16x8x4480xf32, #tpu.memory_space<vmem>>, vector<1x16x1x4480xf32>
      %swap3A_128 = vector.shape_cast %swap3A_127 : vector<1x16x1x4480xf32> to vector<16x4480xf32>
      %swap3A_129 = vector.shape_cast %get3A_122 : vector<16x4480xf32> to vector<1x16x1x4480xf32>
      tpu.vector_store %arg2[%swap3A_123, %swap3A_124, %swap3A_125, %swap3A_126], %swap3A_129 {strides = array<i32>} : memref<1x16x8x4480xf32, #tpu.memory_space<vmem>>, vector<1x16x1x4480xf32>,
      %get3A_130 = arith.constant 0 : index
      %get3A_131 = arith.constant 34 : index
      %get3A_132 = vector.load %arg3[%get3A_130, %get3A_131] : memref<16x4736xf32, #tpu.memory_space<vmem>>, vector<16x4480xf32>
      %swap3A_133 = arith.constant 0 : index
      %swap3A_134 = arith.constant 0 : index
      %swap3A_135 = arith.constant 5 : index
      %swap3A_136 = arith.constant 0 : index
      %swap3A_137 = vector.load %arg2[%swap3A_133, %swap3A_134, %swap3A_135, %swap3A_136] : memref<1x16x8x4480xf32, #tpu.memory_space<vmem>>, vector<1x16x1x4480xf32>
      %swap3A_138 = vector.shape_cast %swap3A_137 : vector<1x16x1x4480xf32> to vector<16x4480xf32>
      %swap3A_139 = vector.shape_cast %get3A_132 : vector<16x4480xf32> to vector<1x16x1x4480xf32>
      tpu.vector_store %arg2[%swap3A_133, %swap3A_134, %swap3A_135, %swap3A_136], %swap3A_139 {strides = array<i32>} : memref<1x16x8x4480xf32, #tpu.memory_space<vmem>>, vector<1x16x1x4480xf32>,
      %get3A_140 = arith.constant 0 : index
      %get3A_141 = arith.constant 33 : index
      %get3A_142 = vector.load %arg3[%get3A_140, %get3A_141] : memref<16x4736xf32, #tpu.memory_space<vmem>>, vector<16x4480xf32>
      %swap3A_143 = arith.constant 0 : index
      %swap3A_144 = arith.constant 0 : index
      %swap3A_145 = arith.constant 6 : index
      %swap3A_146 = arith.constant 0 : index
      %swap3A_147 = vector.load %arg2[%swap3A_143, %swap3A_144, %swap3A_145, %swap3A_146] : memref<1x16x8x4480xf32, #tpu.memory_space<vmem>>, vector<1x16x1x4480xf32>
      %swap3A_148 = vector.shape_cast %swap3A_147 : vector<1x16x1x4480xf32> to vector<16x4480xf32>
      %swap3A_149 = vector.shape_cast %get3A_142 : vector<16x4480xf32> to vector<1x16x1x4480xf32>
      tpu.vector_store %arg2[%swap3A_143, %swap3A_144, %swap3A_145, %swap3A_146], %swap3A_149 {strides = array<i32>} : memref<1x16x8x4480xf32, #tpu.memory_space<vmem>>, vector<1x16x1x4480xf32>,
      %get3A_150 = arith.constant 0 : index
      %get3A_151 = arith.constant 32 : index
      %get3A_152 = vector.load %arg3[%get3A_150, %get3A_151] : memref<16x4736xf32, #tpu.memory_space<vmem>>, vector<16x4480xf32>
      %swap3A_153 = arith.constant 0 : index
      %swap3A_154 = arith.constant 0 : index
      %swap3A_155 = arith.constant 7 : index
      %swap3A_156 = arith.constant 0 : index
      %swap3A_157 = vector.load %arg2[%swap3A_153, %swap3A_154, %swap3A_155, %swap3A_156] : memref<1x16x8x4480xf32, #tpu.memory_space<vmem>>, vector<1x16x1x4480xf32>
      %swap3A_158 = vector.shape_cast %swap3A_157 : vector<1x16x1x4480xf32> to vector<16x4480xf32>
      %swap3A_159 = vector.shape_cast %get3A_152 : vector<16x4480xf32> to vector<1x16x1x4480xf32>
      tpu.vector_store %arg2[%swap3A_153, %swap3A_154, %swap3A_155, %swap3A_156], %swap3A_159 {strides = array<i32>} : memref<1x16x8x4480xf32, #tpu.memory_space<vmem>>, vector<1x16x1x4480xf32>,
    } else {
    }
    %eq3A_27 = arith.constant 5 : i32
    %eq3A_28 = arith.cmpi eq, %arg0, %eq3A_27 : i32
    %convert_element_type3A_29 = arith.extui %eq3A_28 : i1 to i32
    %cond3A_30 = arith.constant 0 : i32
    %cond3A_31 = arith.cmpi ne, %convert_element_type3A_29, %cond3A_30 : i32
    scf.if %cond3A_31 {
      %get3A = arith.constant 0 : index
      %get3A_82 = arith.constant 47 : index
      %get3A_83 = vector.load %arg3[%get3A, %get3A_82] : memref<16x4736xf32, #tpu.memory_space<vmem>>, vector<16x4480xf32>
      %swap3A = arith.constant 0 : index
      %swap3A_84 = arith.constant 0 : index
      %swap3A_85 = arith.constant 0 : index
      %swap3A_86 = arith.constant 0 : index
      %swap3A_87 = vector.load %arg2[%swap3A, %swap3A_84, %swap3A_85, %swap3A_86] : memref<1x16x8x4480xf32, #tpu.memory_space<vmem>>, vector<1x16x1x4480xf32>
      %swap3A_88 = vector.shape_cast %swap3A_87 : vector<1x16x1x4480xf32> to vector<16x4480xf32>
      %swap3A_89 = vector.shape_cast %get3A_83 : vector<16x4480xf32> to vector<1x16x1x4480xf32>
      tpu.vector_store %arg2[%swap3A, %swap3A_84, %swap3A_85, %swap3A_86], %swap3A_89 {strides = array<i32>} : memref<1x16x8x4480xf32, #tpu.memory_space<vmem>>, vector<1x16x1x4480xf32>,
      %get3A_90 = arith.constant 0 : index
      %get3A_91 = arith.constant 46 : index
      %get3A_92 = vector.load %arg3[%get3A_90, %get3A_91] : memref<16x4736xf32, #tpu.memory_space<vmem>>, vector<16x4480xf32>
      %swap3A_93 = arith.constant 0 : index
      %swap3A_94 = arith.constant 0 : index
      %swap3A_95 = arith.constant 1 : index
      %swap3A_96 = arith.constant 0 : index
      %swap3A_97 = vector.load %arg2[%swap3A_93, %swap3A_94, %swap3A_95, %swap3A_96] : memref<1x16x8x4480xf32, #tpu.memory_space<vmem>>, vector<1x16x1x4480xf32>
      %swap3A_98 = vector.shape_cast %swap3A_97 : vector<1x16x1x4480xf32> to vector<16x4480xf32>
      %swap3A_99 = vector.shape_cast %get3A_92 : vector<16x4480xf32> to vector<1x16x1x4480xf32>
      tpu.vector_store %arg2[%swap3A_93, %swap3A_94, %swap3A_95, %swap3A_96], %swap3A_99 {strides = array<i32>} : memref<1x16x8x4480xf32, #tpu.memory_space<vmem>>, vector<1x16x1x4480xf32>,
      %get3A_100 = arith.constant 0 : index
      %get3A_101 = arith.constant 45 : index
      %get3A_102 = vector.load %arg3[%get3A_100, %get3A_101] : memref<16x4736xf32, #tpu.memory_space<vmem>>, vector<16x4480xf32>
      %swap3A_103 = arith.constant 0 : index
      %swap3A_104 = arith.constant 0 : index
      %swap3A_105 = arith.constant 2 : index
      %swap3A_106 = arith.constant 0 : index
      %swap3A_107 = vector.load %arg2[%swap3A_103, %swap3A_104, %swap3A_105, %swap3A_106] : memref<1x16x8x4480xf32, #tpu.memory_space<vmem>>, vector<1x16x1x4480xf32>
      %swap3A_108 = vector.shape_cast %swap3A_107 : vector<1x16x1x4480xf32> to vector<16x4480xf32>
      %swap3A_109 = vector.shape_cast %get3A_102 : vector<16x4480xf32> to vector<1x16x1x4480xf32>
      tpu.vector_store %arg2[%swap3A_103, %swap3A_104, %swap3A_105, %swap3A_106], %swap3A_109 {strides = array<i32>} : memref<1x16x8x4480xf32, #tpu.memory_space<vmem>>, vector<1x16x1x4480xf32>,
      %get3A_110 = arith.constant 0 : index
      %get3A_111 = arith.constant 44 : index
      %get3A_112 = vector.load %arg3[%get3A_110, %get3A_111] : memref<16x4736xf32, #tpu.memory_space<vmem>>, vector<16x4480xf32>
      %swap3A_113 = arith.constant 0 : index
      %swap3A_114 = arith.constant 0 : index
      %swap3A_115 = arith.constant 3 : index
      %swap3A_116 = arith.constant 0 : index
      %swap3A_117 = vector.load %arg2[%swap3A_113, %swap3A_114, %swap3A_115, %swap3A_116] : memref<1x16x8x4480xf32, #tpu.memory_space<vmem>>, vector<1x16x1x4480xf32>
      %swap3A_118 = vector.shape_cast %swap3A_117 : vector<1x16x1x4480xf32> to vector<16x4480xf32>
      %swap3A_119 = vector.shape_cast %get3A_112 : vector<16x4480xf32> to vector<1x16x1x4480xf32>
      tpu.vector_store %arg2[%swap3A_113, %swap3A_114, %swap3A_115, %swap3A_116], %swap3A_119 {strides = array<i32>} : memref<1x16x8x4480xf32, #tpu.memory_space<vmem>>, vector<1x16x1x4480xf32>,
      %get3A_120 = arith.constant 0 : index
      %get3A_121 = arith.constant 43 : index
      %get3A_122 = vector.load %arg3[%get3A_120, %get3A_121] : memref<16x4736xf32, #tpu.memory_space<vmem>>, vector<16x4480xf32>
      %swap3A_123 = arith.constant 0 : index
      %swap3A_124 = arith.constant 0 : index
      %swap3A_125 = arith.constant 4 : index
      %swap3A_126 = arith.constant 0 : index
      %swap3A_127 = vector.load %arg2[%swap3A_123, %swap3A_124, %swap3A_125, %swap3A_126] : memref<1x16x8x4480xf32, #tpu.memory_space<vmem>>, vector<1x16x1x4480xf32>
      %swap3A_128 = vector.shape_cast %swap3A_127 : vector<1x16x1x4480xf32> to vector<16x4480xf32>
      %swap3A_129 = vector.shape_cast %get3A_122 : vector<16x4480xf32> to vector<1x16x1x4480xf32>
      tpu.vector_store %arg2[%swap3A_123, %swap3A_124, %swap3A_125, %swap3A_126], %swap3A_129 {strides = array<i32>} : memref<1x16x8x4480xf32, #tpu.memory_space<vmem>>, vector<1x16x1x4480xf32>,
      %get3A_130 = arith.constant 0 : index
      %get3A_131 = arith.constant 42 : index
      %get3A_132 = vector.load %arg3[%get3A_130, %get3A_131] : memref<16x4736xf32, #tpu.memory_space<vmem>>, vector<16x4480xf32>
      %swap3A_133 = arith.constant 0 : index
      %swap3A_134 = arith.constant 0 : index
      %swap3A_135 = arith.constant 5 : index
      %swap3A_136 = arith.constant 0 : index
      %swap3A_137 = vector.load %arg2[%swap3A_133, %swap3A_134, %swap3A_135, %swap3A_136] : memref<1x16x8x4480xf32, #tpu.memory_space<vmem>>, vector<1x16x1x4480xf32>
      %swap3A_138 = vector.shape_cast %swap3A_137 : vector<1x16x1x4480xf32> to vector<16x4480xf32>
      %swap3A_139 = vector.shape_cast %get3A_132 : vector<16x4480xf32> to vector<1x16x1x4480xf32>
      tpu.vector_store %arg2[%swap3A_133, %swap3A_134, %swap3A_135, %swap3A_136], %swap3A_139 {strides = array<i32>} : memref<1x16x8x4480xf32, #tpu.memory_space<vmem>>, vector<1x16x1x4480xf32>,
      %get3A_140 = arith.constant 0 : index
      %get3A_141 = arith.constant 41 : index
      %get3A_142 = vector.load %arg3[%get3A_140, %get3A_141] : memref<16x4736xf32, #tpu.memory_space<vmem>>, vector<16x4480xf32>
      %swap3A_143 = arith.constant 0 : index
      %swap3A_144 = arith.constant 0 : index
      %swap3A_145 = arith.constant 6 : index
      %swap3A_146 = arith.constant 0 : index
      %swap3A_147 = vector.load %arg2[%swap3A_143, %swap3A_144, %swap3A_145, %swap3A_146] : memref<1x16x8x4480xf32, #tpu.memory_space<vmem>>, vector<1x16x1x4480xf32>
      %swap3A_148 = vector.shape_cast %swap3A_147 : vector<1x16x1x4480xf32> to vector<16x4480xf32>
      %swap3A_149 = vector.shape_cast %get3A_142 : vector<16x4480xf32> to vector<1x16x1x4480xf32>
      tpu.vector_store %arg2[%swap3A_143, %swap3A_144, %swap3A_145, %swap3A_146], %swap3A_149 {strides = array<i32>} : memref<1x16x8x4480xf32, #tpu.memory_space<vmem>>, vector<1x16x1x4480xf32>,
      %get3A_150 = arith.constant 0 : index
      %get3A_151 = arith.constant 40 : index
      %get3A_152 = vector.load %arg3[%get3A_150, %get3A_151] : memref<16x4736xf32, #tpu.memory_space<vmem>>, vector<16x4480xf32>
      %swap3A_153 = arith.constant 0 : index
      %swap3A_154 = arith.constant 0 : index
      %swap3A_155 = arith.constant 7 : index
      %swap3A_156 = arith.constant 0 : index
      %swap3A_157 = vector.load %arg2[%swap3A_153, %swap3A_154, %swap3A_155, %swap3A_156] : memref<1x16x8x4480xf32, #tpu.memory_space<vmem>>, vector<1x16x1x4480xf32>
      %swap3A_158 = vector.shape_cast %swap3A_157 : vector<1x16x1x4480xf32> to vector<16x4480xf32>
      %swap3A_159 = vector.shape_cast %get3A_152 : vector<16x4480xf32> to vector<1x16x1x4480xf32>
      tpu.vector_store %arg2[%swap3A_153, %swap3A_154, %swap3A_155, %swap3A_156], %swap3A_159 {strides = array<i32>} : memref<1x16x8x4480xf32, #tpu.memory_space<vmem>>, vector<1x16x1x4480xf32>,
    } else {
    }
    %eq3A_32 = arith.constant 6 : i32
    %eq3A_33 = arith.cmpi eq, %arg0, %eq3A_32 : i32
    %convert_element_type3A_34 = arith.extui %eq3A_33 : i1 to i32
    %cond3A_35 = arith.constant 0 : i32
    %cond3A_36 = arith.cmpi ne, %convert_element_type3A_34, %cond3A_35 : i32
    scf.if %cond3A_36 {
      %get3A = arith.constant 0 : index
      %get3A_82 = arith.constant 55 : index
      %get3A_83 = vector.load %arg3[%get3A, %get3A_82] : memref<16x4736xf32, #tpu.memory_space<vmem>>, vector<16x4480xf32>
      %swap3A = arith.constant 0 : index
      %swap3A_84 = arith.constant 0 : index
      %swap3A_85 = arith.constant 0 : index
      %swap3A_86 = arith.constant 0 : index
      %swap3A_87 = vector.load %arg2[%swap3A, %swap3A_84, %swap3A_85, %swap3A_86] : memref<1x16x8x4480xf32, #tpu.memory_space<vmem>>, vector<1x16x1x4480xf32>
      %swap3A_88 = vector.shape_cast %swap3A_87 : vector<1x16x1x4480xf32> to vector<16x4480xf32>
      %swap3A_89 = vector.shape_cast %get3A_83 : vector<16x4480xf32> to vector<1x16x1x4480xf32>
      tpu.vector_store %arg2[%swap3A, %swap3A_84, %swap3A_85, %swap3A_86], %swap3A_89 {strides = array<i32>} : memref<1x16x8x4480xf32, #tpu.memory_space<vmem>>, vector<1x16x1x4480xf32>,
      %get3A_90 = arith.constant 0 : index
      %get3A_91 = arith.constant 54 : index
      %get3A_92 = vector.load %arg3[%get3A_90, %get3A_91] : memref<16x4736xf32, #tpu.memory_space<vmem>>, vector<16x4480xf32>
      %swap3A_93 = arith.constant 0 : index
      %swap3A_94 = arith.constant 0 : index
      %swap3A_95 = arith.constant 1 : index
      %swap3A_96 = arith.constant 0 : index
      %swap3A_97 = vector.load %arg2[%swap3A_93, %swap3A_94, %swap3A_95, %swap3A_96] : memref<1x16x8x4480xf32, #tpu.memory_space<vmem>>, vector<1x16x1x4480xf32>
      %swap3A_98 = vector.shape_cast %swap3A_97 : vector<1x16x1x4480xf32> to vector<16x4480xf32>
      %swap3A_99 = vector.shape_cast %get3A_92 : vector<16x4480xf32> to vector<1x16x1x4480xf32>
      tpu.vector_store %arg2[%swap3A_93, %swap3A_94, %swap3A_95, %swap3A_96], %swap3A_99 {strides = array<i32>} : memref<1x16x8x4480xf32, #tpu.memory_space<vmem>>, vector<1x16x1x4480xf32>,
      %get3A_100 = arith.constant 0 : index
      %get3A_101 = arith.constant 53 : index
      %get3A_102 = vector.load %arg3[%get3A_100, %get3A_101] : memref<16x4736xf32, #tpu.memory_space<vmem>>, vector<16x4480xf32>
      %swap3A_103 = arith.constant 0 : index
      %swap3A_104 = arith.constant 0 : index
      %swap3A_105 = arith.constant 2 : index
      %swap3A_106 = arith.constant 0 : index
      %swap3A_107 = vector.load %arg2[%swap3A_103, %swap3A_104, %swap3A_105, %swap3A_106] : memref<1x16x8x4480xf32, #tpu.memory_space<vmem>>, vector<1x16x1x4480xf32>
      %swap3A_108 = vector.shape_cast %swap3A_107 : vector<1x16x1x4480xf32> to vector<16x4480xf32>
      %swap3A_109 = vector.shape_cast %get3A_102 : vector<16x4480xf32> to vector<1x16x1x4480xf32>
      tpu.vector_store %arg2[%swap3A_103, %swap3A_104, %swap3A_105, %swap3A_106], %swap3A_109 {strides = array<i32>} : memref<1x16x8x4480xf32, #tpu.memory_space<vmem>>, vector<1x16x1x4480xf32>,
      %get3A_110 = arith.constant 0 : index
      %get3A_111 = arith.constant 52 : index
      %get3A_112 = vector.load %arg3[%get3A_110, %get3A_111] : memref<16x4736xf32, #tpu.memory_space<vmem>>, vector<16x4480xf32>
      %swap3A_113 = arith.constant 0 : index
      %swap3A_114 = arith.constant 0 : index
      %swap3A_115 = arith.constant 3 : index
      %swap3A_116 = arith.constant 0 : index
      %swap3A_117 = vector.load %arg2[%swap3A_113, %swap3A_114, %swap3A_115, %swap3A_116] : memref<1x16x8x4480xf32, #tpu.memory_space<vmem>>, vector<1x16x1x4480xf32>
      %swap3A_118 = vector.shape_cast %swap3A_117 : vector<1x16x1x4480xf32> to vector<16x4480xf32>
      %swap3A_119 = vector.shape_cast %get3A_112 : vector<16x4480xf32> to vector<1x16x1x4480xf32>
      tpu.vector_store %arg2[%swap3A_113, %swap3A_114, %swap3A_115, %swap3A_116], %swap3A_119 {strides = array<i32>} : memref<1x16x8x4480xf32, #tpu.memory_space<vmem>>, vector<1x16x1x4480xf32>,
      %get3A_120 = arith.constant 0 : index
      %get3A_121 = arith.constant 51 : index
      %get3A_122 = vector.load %arg3[%get3A_120, %get3A_121] : memref<16x4736xf32, #tpu.memory_space<vmem>>, vector<16x4480xf32>
      %swap3A_123 = arith.constant 0 : index
      %swap3A_124 = arith.constant 0 : index
      %swap3A_125 = arith.constant 4 : index
      %swap3A_126 = arith.constant 0 : index
      %swap3A_127 = vector.load %arg2[%swap3A_123, %swap3A_124, %swap3A_125, %swap3A_126] : memref<1x16x8x4480xf32, #tpu.memory_space<vmem>>, vector<1x16x1x4480xf32>
      %swap3A_128 = vector.shape_cast %swap3A_127 : vector<1x16x1x4480xf32> to vector<16x4480xf32>
      %swap3A_129 = vector.shape_cast %get3A_122 : vector<16x4480xf32> to vector<1x16x1x4480xf32>
      tpu.vector_store %arg2[%swap3A_123, %swap3A_124, %swap3A_125, %swap3A_126], %swap3A_129 {strides = array<i32>} : memref<1x16x8x4480xf32, #tpu.memory_space<vmem>>, vector<1x16x1x4480xf32>,
      %get3A_130 = arith.constant 0 : index
      %get3A_131 = arith.constant 50 : index
      %get3A_132 = vector.load %arg3[%get3A_130, %get3A_131] : memref<16x4736xf32, #tpu.memory_space<vmem>>, vector<16x4480xf32>
      %swap3A_133 = arith.constant 0 : index
      %swap3A_134 = arith.constant 0 : index
      %swap3A_135 = arith.constant 5 : index
      %swap3A_136 = arith.constant 0 : index
      %swap3A_137 = vector.load %arg2[%swap3A_133, %swap3A_134, %swap3A_135, %swap3A_136] : memref<1x16x8x4480xf32, #tpu.memory_space<vmem>>, vector<1x16x1x4480xf32>
      %swap3A_138 = vector.shape_cast %swap3A_137 : vector<1x16x1x4480xf32> to vector<16x4480xf32>
      %swap3A_139 = vector.shape_cast %get3A_132 : vector<16x4480xf32> to vector<1x16x1x4480xf32>
      tpu.vector_store %arg2[%swap3A_133, %swap3A_134, %swap3A_135, %swap3A_136], %swap3A_139 {strides = array<i32>} : memref<1x16x8x4480xf32, #tpu.memory_space<vmem>>, vector<1x16x1x4480xf32>,
      %get3A_140 = arith.constant 0 : index
      %get3A_141 = arith.constant 49 : index
      %get3A_142 = vector.load %arg3[%get3A_140, %get3A_141] : memref<16x4736xf32, #tpu.memory_space<vmem>>, vector<16x4480xf32>
      %swap3A_143 = arith.constant 0 : index
      %swap3A_144 = arith.constant 0 : index
      %swap3A_145 = arith.constant 6 : index
      %swap3A_146 = arith.constant 0 : index
      %swap3A_147 = vector.load %arg2[%swap3A_143, %swap3A_144, %swap3A_145, %swap3A_146] : memref<1x16x8x4480xf32, #tpu.memory_space<vmem>>, vector<1x16x1x4480xf32>
      %swap3A_148 = vector.shape_cast %swap3A_147 : vector<1x16x1x4480xf32> to vector<16x4480xf32>
      %swap3A_149 = vector.shape_cast %get3A_142 : vector<16x4480xf32> to vector<1x16x1x4480xf32>
      tpu.vector_store %arg2[%swap3A_143, %swap3A_144, %swap3A_145, %swap3A_146], %swap3A_149 {strides = array<i32>} : memref<1x16x8x4480xf32, #tpu.memory_space<vmem>>, vector<1x16x1x4480xf32>,
      %get3A_150 = arith.constant 0 : index
      %get3A_151 = arith.constant 48 : index
      %get3A_152 = vector.load %arg3[%get3A_150, %get3A_151] : memref<16x4736xf32, #tpu.memory_space<vmem>>, vector<16x4480xf32>
      %swap3A_153 = arith.constant 0 : index
      %swap3A_154 = arith.constant 0 : index
      %swap3A_155 = arith.constant 7 : index
      %swap3A_156 = arith.constant 0 : index
      %swap3A_157 = vector.load %arg2[%swap3A_153, %swap3A_154, %swap3A_155, %swap3A_156] : memref<1x16x8x4480xf32, #tpu.memory_space<vmem>>, vector<1x16x1x4480xf32>
      %swap3A_158 = vector.shape_cast %swap3A_157 : vector<1x16x1x4480xf32> to vector<16x4480xf32>
      %swap3A_159 = vector.shape_cast %get3A_152 : vector<16x4480xf32> to vector<1x16x1x4480xf32>
      tpu.vector_store %arg2[%swap3A_153, %swap3A_154, %swap3A_155, %swap3A_156], %swap3A_159 {strides = array<i32>} : memref<1x16x8x4480xf32, #tpu.memory_space<vmem>>, vector<1x16x1x4480xf32>,
    } else {
    }
    %eq3A_37 = arith.constant 7 : i32
    %eq3A_38 = arith.cmpi eq, %arg0, %eq3A_37 : i32
    %convert_element_type3A_39 = arith.extui %eq3A_38 : i1 to i32
    %cond3A_40 = arith.constant 0 : i32
    %cond3A_41 = arith.cmpi ne, %convert_element_type3A_39, %cond3A_40 : i32
    scf.if %cond3A_41 {
      %get3A = arith.constant 0 : index
      %get3A_82 = arith.constant 63 : index
      %get3A_83 = vector.load %arg3[%get3A, %get3A_82] : memref<16x4736xf32, #tpu.memory_space<vmem>>, vector<16x4480xf32>
      %swap3A = arith.constant 0 : index
      %swap3A_84 = arith.constant 0 : index
      %swap3A_85 = arith.constant 0 : index
      %swap3A_86 = arith.constant 0 : index
      %swap3A_87 = vector.load %arg2[%swap3A, %swap3A_84, %swap3A_85, %swap3A_86] : memref<1x16x8x4480xf32, #tpu.memory_space<vmem>>, vector<1x16x1x4480xf32>
      %swap3A_88 = vector.shape_cast %swap3A_87 : vector<1x16x1x4480xf32> to vector<16x4480xf32>
      %swap3A_89 = vector.shape_cast %get3A_83 : vector<16x4480xf32> to vector<1x16x1x4480xf32>
      tpu.vector_store %arg2[%swap3A, %swap3A_84, %swap3A_85, %swap3A_86], %swap3A_89 {strides = array<i32>} : memref<1x16x8x4480xf32, #tpu.memory_space<vmem>>, vector<1x16x1x4480xf32>,
      %get3A_90 = arith.constant 0 : index
      %get3A_91 = arith.constant 62 : index
      %get3A_92 = vector.load %arg3[%get3A_90, %get3A_91] : memref<16x4736xf32, #tpu.memory_space<vmem>>, vector<16x4480xf32>
      %swap3A_93 = arith.constant 0 : index
      %swap3A_94 = arith.constant 0 : index
      %swap3A_95 = arith.constant 1 : index
      %swap3A_96 = arith.constant 0 : index
      %swap3A_97 = vector.load %arg2[%swap3A_93, %swap3A_94, %swap3A_95, %swap3A_96] : memref<1x16x8x4480xf32, #tpu.memory_space<vmem>>, vector<1x16x1x4480xf32>
      %swap3A_98 = vector.shape_cast %swap3A_97 : vector<1x16x1x4480xf32> to vector<16x4480xf32>
      %swap3A_99 = vector.shape_cast %get3A_92 : vector<16x4480xf32> to vector<1x16x1x4480xf32>
      tpu.vector_store %arg2[%swap3A_93, %swap3A_94, %swap3A_95, %swap3A_96], %swap3A_99 {strides = array<i32>} : memref<1x16x8x4480xf32, #tpu.memory_space<vmem>>, vector<1x16x1x4480xf32>,
      %get3A_100 = arith.constant 0 : index
      %get3A_101 = arith.constant 61 : index
      %get3A_102 = vector.load %arg3[%get3A_100, %get3A_101] : memref<16x4736xf32, #tpu.memory_space<vmem>>, vector<16x4480xf32>
      %swap3A_103 = arith.constant 0 : index
      %swap3A_104 = arith.constant 0 : index
      %swap3A_105 = arith.constant 2 : index
      %swap3A_106 = arith.constant 0 : index
      %swap3A_107 = vector.load %arg2[%swap3A_103, %swap3A_104, %swap3A_105, %swap3A_106] : memref<1x16x8x4480xf32, #tpu.memory_space<vmem>>, vector<1x16x1x4480xf32>
      %swap3A_108 = vector.shape_cast %swap3A_107 : vector<1x16x1x4480xf32> to vector<16x4480xf32>
      %swap3A_109 = vector.shape_cast %get3A_102 : vector<16x4480xf32> to vector<1x16x1x4480xf32>
      tpu.vector_store %arg2[%swap3A_103, %swap3A_104, %swap3A_105, %swap3A_106], %swap3A_109 {strides = array<i32>} : memref<1x16x8x4480xf32, #tpu.memory_space<vmem>>, vector<1x16x1x4480xf32>,
      %get3A_110 = arith.constant 0 : index
      %get3A_111 = arith.constant 60 : index
      %get3A_112 = vector.load %arg3[%get3A_110, %get3A_111] : memref<16x4736xf32, #tpu.memory_space<vmem>>, vector<16x4480xf32>
      %swap3A_113 = arith.constant 0 : index
      %swap3A_114 = arith.constant 0 : index
      %swap3A_115 = arith.constant 3 : index
      %swap3A_116 = arith.constant 0 : index
      %swap3A_117 = vector.load %arg2[%swap3A_113, %swap3A_114, %swap3A_115, %swap3A_116] : memref<1x16x8x4480xf32, #tpu.memory_space<vmem>>, vector<1x16x1x4480xf32>
      %swap3A_118 = vector.shape_cast %swap3A_117 : vector<1x16x1x4480xf32> to vector<16x4480xf32>
      %swap3A_119 = vector.shape_cast %get3A_112 : vector<16x4480xf32> to vector<1x16x1x4480xf32>
      tpu.vector_store %arg2[%swap3A_113, %swap3A_114, %swap3A_115, %swap3A_116], %swap3A_119 {strides = array<i32>} : memref<1x16x8x4480xf32, #tpu.memory_space<vmem>>, vector<1x16x1x4480xf32>,
      %get3A_120 = arith.constant 0 : index
      %get3A_121 = arith.constant 59 : index
      %get3A_122 = vector.load %arg3[%get3A_120, %get3A_121] : memref<16x4736xf32, #tpu.memory_space<vmem>>, vector<16x4480xf32>
      %swap3A_123 = arith.constant 0 : index
      %swap3A_124 = arith.constant 0 : index
      %swap3A_125 = arith.constant 4 : index
      %swap3A_126 = arith.constant 0 : index
      %swap3A_127 = vector.load %arg2[%swap3A_123, %swap3A_124, %swap3A_125, %swap3A_126] : memref<1x16x8x4480xf32, #tpu.memory_space<vmem>>, vector<1x16x1x4480xf32>
      %swap3A_128 = vector.shape_cast %swap3A_127 : vector<1x16x1x4480xf32> to vector<16x4480xf32>
      %swap3A_129 = vector.shape_cast %get3A_122 : vector<16x4480xf32> to vector<1x16x1x4480xf32>
      tpu.vector_store %arg2[%swap3A_123, %swap3A_124, %swap3A_125, %swap3A_126], %swap3A_129 {strides = array<i32>} : memref<1x16x8x4480xf32, #tpu.memory_space<vmem>>, vector<1x16x1x4480xf32>,
      %get3A_130 = arith.constant 0 : index
      %get3A_131 = arith.constant 58 : index
      %get3A_132 = vector.load %arg3[%get3A_130, %get3A_131] : memref<16x4736xf32, #tpu.memory_space<vmem>>, vector<16x4480xf32>
      %swap3A_133 = arith.constant 0 : index
      %swap3A_134 = arith.constant 0 : index
      %swap3A_135 = arith.constant 5 : index
      %swap3A_136 = arith.constant 0 : index
      %swap3A_137 = vector.load %arg2[%swap3A_133, %swap3A_134, %swap3A_135, %swap3A_136] : memref<1x16x8x4480xf32, #tpu.memory_space<vmem>>, vector<1x16x1x4480xf32>
      %swap3A_138 = vector.shape_cast %swap3A_137 : vector<1x16x1x4480xf32> to vector<16x4480xf32>
      %swap3A_139 = vector.shape_cast %get3A_132 : vector<16x4480xf32> to vector<1x16x1x4480xf32>
      tpu.vector_store %arg2[%swap3A_133, %swap3A_134, %swap3A_135, %swap3A_136], %swap3A_139 {strides = array<i32>} : memref<1x16x8x4480xf32, #tpu.memory_space<vmem>>, vector<1x16x1x4480xf32>,
      %get3A_140 = arith.constant 0 : index
      %get3A_141 = arith.constant 57 : index
      %get3A_142 = vector.load %arg3[%get3A_140, %get3A_141] : memref<16x4736xf32, #tpu.memory_space<vmem>>, vector<16x4480xf32>
      %swap3A_143 = arith.constant 0 : index
      %swap3A_144 = arith.constant 0 : index
      %swap3A_145 = arith.constant 6 : index
      %swap3A_146 = arith.constant 0 : index
      %swap3A_147 = vector.load %arg2[%swap3A_143, %swap3A_144, %swap3A_145, %swap3A_146] : memref<1x16x8x4480xf32, #tpu.memory_space<vmem>>, vector<1x16x1x4480xf32>
      %swap3A_148 = vector.shape_cast %swap3A_147 : vector<1x16x1x4480xf32> to vector<16x4480xf32>
      %swap3A_149 = vector.shape_cast %get3A_142 : vector<16x4480xf32> to vector<1x16x1x4480xf32>
      tpu.vector_store %arg2[%swap3A_143, %swap3A_144, %swap3A_145, %swap3A_146], %swap3A_149 {strides = array<i32>} : memref<1x16x8x4480xf32, #tpu.memory_space<vmem>>, vector<1x16x1x4480xf32>,
      %get3A_150 = arith.constant 0 : index
      %get3A_151 = arith.constant 56 : index
      %get3A_152 = vector.load %arg3[%get3A_150, %get3A_151] : memref<16x4736xf32, #tpu.memory_space<vmem>>, vector<16x4480xf32>
      %swap3A_153 = arith.constant 0 : index
      %swap3A_154 = arith.constant 0 : index
      %swap3A_155 = arith.constant 7 : index
      %swap3A_156 = arith.constant 0 : index
      %swap3A_157 = vector.load %arg2[%swap3A_153, %swap3A_154, %swap3A_155, %swap3A_156] : memref<1x16x8x4480xf32, #tpu.memory_space<vmem>>, vector<1x16x1x4480xf32>
      %swap3A_158 = vector.shape_cast %swap3A_157 : vector<1x16x1x4480xf32> to vector<16x4480xf32>
      %swap3A_159 = vector.shape_cast %get3A_152 : vector<16x4480xf32> to vector<1x16x1x4480xf32>
      tpu.vector_store %arg2[%swap3A_153, %swap3A_154, %swap3A_155, %swap3A_156], %swap3A_159 {strides = array<i32>} : memref<1x16x8x4480xf32, #tpu.memory_space<vmem>>, vector<1x16x1x4480xf32>,
    } else {
    }
    %eq3A_42 = arith.constant 8 : i32
    %eq3A_43 = arith.cmpi eq, %arg0, %eq3A_42 : i32
    %convert_element_type3A_44 = arith.extui %eq3A_43 : i1 to i32
    %cond3A_45 = arith.constant 0 : i32
    %cond3A_46 = arith.cmpi ne, %convert_element_type3A_44, %cond3A_45 : i32
    scf.if %cond3A_46 {
      %get3A = arith.constant 0 : index
      %get3A_82 = arith.constant 71 : index
      %get3A_83 = vector.load %arg3[%get3A, %get3A_82] : memref<16x4736xf32, #tpu.memory_space<vmem>>, vector<16x4480xf32>
      %swap3A = arith.constant 0 : index
      %swap3A_84 = arith.constant 0 : index
      %swap3A_85 = arith.constant 0 : index
      %swap3A_86 = arith.constant 0 : index
      %swap3A_87 = vector.load %arg2[%swap3A, %swap3A_84, %swap3A_85, %swap3A_86] : memref<1x16x8x4480xf32, #tpu.memory_space<vmem>>, vector<1x16x1x4480xf32>
      %swap3A_88 = vector.shape_cast %swap3A_87 : vector<1x16x1x4480xf32> to vector<16x4480xf32>
      %swap3A_89 = vector.shape_cast %get3A_83 : vector<16x4480xf32> to vector<1x16x1x4480xf32>
      tpu.vector_store %arg2[%swap3A, %swap3A_84, %swap3A_85, %swap3A_86], %swap3A_89 {strides = array<i32>} : memref<1x16x8x4480xf32, #tpu.memory_space<vmem>>, vector<1x16x1x4480xf32>,
      %get3A_90 = arith.constant 0 : index
      %get3A_91 = arith.constant 70 : index
      %get3A_92 = vector.load %arg3[%get3A_90, %get3A_91] : memref<16x4736xf32, #tpu.memory_space<vmem>>, vector<16x4480xf32>
      %swap3A_93 = arith.constant 0 : index
      %swap3A_94 = arith.constant 0 : index
      %swap3A_95 = arith.constant 1 : index
      %swap3A_96 = arith.constant 0 : index
      %swap3A_97 = vector.load %arg2[%swap3A_93, %swap3A_94, %swap3A_95, %swap3A_96] : memref<1x16x8x4480xf32, #tpu.memory_space<vmem>>, vector<1x16x1x4480xf32>
      %swap3A_98 = vector.shape_cast %swap3A_97 : vector<1x16x1x4480xf32> to vector<16x4480xf32>
      %swap3A_99 = vector.shape_cast %get3A_92 : vector<16x4480xf32> to vector<1x16x1x4480xf32>
      tpu.vector_store %arg2[%swap3A_93, %swap3A_94, %swap3A_95, %swap3A_96], %swap3A_99 {strides = array<i32>} : memref<1x16x8x4480xf32, #tpu.memory_space<vmem>>, vector<1x16x1x4480xf32>,
      %get3A_100 = arith.constant 0 : index
      %get3A_101 = arith.constant 69 : index
      %get3A_102 = vector.load %arg3[%get3A_100, %get3A_101] : memref<16x4736xf32, #tpu.memory_space<vmem>>, vector<16x4480xf32>
      %swap3A_103 = arith.constant 0 : index
      %swap3A_104 = arith.constant 0 : index
      %swap3A_105 = arith.constant 2 : index
      %swap3A_106 = arith.constant 0 : index
      %swap3A_107 = vector.load %arg2[%swap3A_103, %swap3A_104, %swap3A_105, %swap3A_106] : memref<1x16x8x4480xf32, #tpu.memory_space<vmem>>, vector<1x16x1x4480xf32>
      %swap3A_108 = vector.shape_cast %swap3A_107 : vector<1x16x1x4480xf32> to vector<16x4480xf32>
      %swap3A_109 = vector.shape_cast %get3A_102 : vector<16x4480xf32> to vector<1x16x1x4480xf32>
      tpu.vector_store %arg2[%swap3A_103, %swap3A_104, %swap3A_105, %swap3A_106], %swap3A_109 {strides = array<i32>} : memref<1x16x8x4480xf32, #tpu.memory_space<vmem>>, vector<1x16x1x4480xf32>,
      %get3A_110 = arith.constant 0 : index
      %get3A_111 = arith.constant 68 : index
      %get3A_112 = vector.load %arg3[%get3A_110, %get3A_111] : memref<16x4736xf32, #tpu.memory_space<vmem>>, vector<16x4480xf32>
      %swap3A_113 = arith.constant 0 : index
      %swap3A_114 = arith.constant 0 : index
      %swap3A_115 = arith.constant 3 : index
      %swap3A_116 = arith.constant 0 : index
      %swap3A_117 = vector.load %arg2[%swap3A_113, %swap3A_114, %swap3A_115, %swap3A_116] : memref<1x16x8x4480xf32, #tpu.memory_space<vmem>>, vector<1x16x1x4480xf32>
      %swap3A_118 = vector.shape_cast %swap3A_117 : vector<1x16x1x4480xf32> to vector<16x4480xf32>
      %swap3A_119 = vector.shape_cast %get3A_112 : vector<16x4480xf32> to vector<1x16x1x4480xf32>
      tpu.vector_store %arg2[%swap3A_113, %swap3A_114, %swap3A_115, %swap3A_116], %swap3A_119 {strides = array<i32>} : memref<1x16x8x4480xf32, #tpu.memory_space<vmem>>, vector<1x16x1x4480xf32>,
      %get3A_120 = arith.constant 0 : index
      %get3A_121 = arith.constant 67 : index
      %get3A_122 = vector.load %arg3[%get3A_120, %get3A_121] : memref<16x4736xf32, #tpu.memory_space<vmem>>, vector<16x4480xf32>
      %swap3A_123 = arith.constant 0 : index
      %swap3A_124 = arith.constant 0 : index
      %swap3A_125 = arith.constant 4 : index
      %swap3A_126 = arith.constant 0 : index
      %swap3A_127 = vector.load %arg2[%swap3A_123, %swap3A_124, %swap3A_125, %swap3A_126] : memref<1x16x8x4480xf32, #tpu.memory_space<vmem>>, vector<1x16x1x4480xf32>
      %swap3A_128 = vector.shape_cast %swap3A_127 : vector<1x16x1x4480xf32> to vector<16x4480xf32>
      %swap3A_129 = vector.shape_cast %get3A_122 : vector<16x4480xf32> to vector<1x16x1x4480xf32>
      tpu.vector_store %arg2[%swap3A_123, %swap3A_124, %swap3A_125, %swap3A_126], %swap3A_129 {strides = array<i32>} : memref<1x16x8x4480xf32, #tpu.memory_space<vmem>>, vector<1x16x1x4480xf32>,
      %get3A_130 = arith.constant 0 : index
      %get3A_131 = arith.constant 66 : index
      %get3A_132 = vector.load %arg3[%get3A_130, %get3A_131] : memref<16x4736xf32, #tpu.memory_space<vmem>>, vector<16x4480xf32>
      %swap3A_133 = arith.constant 0 : index
      %swap3A_134 = arith.constant 0 : index
      %swap3A_135 = arith.constant 5 : index
      %swap3A_136 = arith.constant 0 : index
      %swap3A_137 = vector.load %arg2[%swap3A_133, %swap3A_134, %swap3A_135, %swap3A_136] : memref<1x16x8x4480xf32, #tpu.memory_space<vmem>>, vector<1x16x1x4480xf32>
      %swap3A_138 = vector.shape_cast %swap3A_137 : vector<1x16x1x4480xf32> to vector<16x4480xf32>
      %swap3A_139 = vector.shape_cast %get3A_132 : vector<16x4480xf32> to vector<1x16x1x4480xf32>
      tpu.vector_store %arg2[%swap3A_133, %swap3A_134, %swap3A_135, %swap3A_136], %swap3A_139 {strides = array<i32>} : memref<1x16x8x4480xf32, #tpu.memory_space<vmem>>, vector<1x16x1x4480xf32>,
      %get3A_140 = arith.constant 0 : index
      %get3A_141 = arith.constant 65 : index
      %get3A_142 = vector.load %arg3[%get3A_140, %get3A_141] : memref<16x4736xf32, #tpu.memory_space<vmem>>, vector<16x4480xf32>
      %swap3A_143 = arith.constant 0 : index
      %swap3A_144 = arith.constant 0 : index
      %swap3A_145 = arith.constant 6 : index
      %swap3A_146 = arith.constant 0 : index
      %swap3A_147 = vector.load %arg2[%swap3A_143, %swap3A_144, %swap3A_145, %swap3A_146] : memref<1x16x8x4480xf32, #tpu.memory_space<vmem>>, vector<1x16x1x4480xf32>
      %swap3A_148 = vector.shape_cast %swap3A_147 : vector<1x16x1x4480xf32> to vector<16x4480xf32>
      %swap3A_149 = vector.shape_cast %get3A_142 : vector<16x4480xf32> to vector<1x16x1x4480xf32>
      tpu.vector_store %arg2[%swap3A_143, %swap3A_144, %swap3A_145, %swap3A_146], %swap3A_149 {strides = array<i32>} : memref<1x16x8x4480xf32, #tpu.memory_space<vmem>>, vector<1x16x1x4480xf32>,
      %get3A_150 = arith.constant 0 : index
      %get3A_151 = arith.constant 64 : index
      %get3A_152 = vector.load %arg3[%get3A_150, %get3A_151] : memref<16x4736xf32, #tpu.memory_space<vmem>>, vector<16x4480xf32>
      %swap3A_153 = arith.constant 0 : index
      %swap3A_154 = arith.constant 0 : index
      %swap3A_155 = arith.constant 7 : index
      %swap3A_156 = arith.constant 0 : index
      %swap3A_157 = vector.load %arg2[%swap3A_153, %swap3A_154, %swap3A_155, %swap3A_156] : memref<1x16x8x4480xf32, #tpu.memory_space<vmem>>, vector<1x16x1x4480xf32>
      %swap3A_158 = vector.shape_cast %swap3A_157 : vector<1x16x1x4480xf32> to vector<16x4480xf32>
      %swap3A_159 = vector.shape_cast %get3A_152 : vector<16x4480xf32> to vector<1x16x1x4480xf32>
      tpu.vector_store %arg2[%swap3A_153, %swap3A_154, %swap3A_155, %swap3A_156], %swap3A_159 {strides = array<i32>} : memref<1x16x8x4480xf32, #tpu.memory_space<vmem>>, vector<1x16x1x4480xf32>,
    } else {
    }
    %eq3A_47 = arith.constant 9 : i32
    %eq3A_48 = arith.cmpi eq, %arg0, %eq3A_47 : i32
    %convert_element_type3A_49 = arith.extui %eq3A_48 : i1 to i32
    %cond3A_50 = arith.constant 0 : i32
    %cond3A_51 = arith.cmpi ne, %convert_element_type3A_49, %cond3A_50 : i32
    scf.if %cond3A_51 {
      %get3A = arith.constant 0 : index
      %get3A_82 = arith.constant 79 : index
      %get3A_83 = vector.load %arg3[%get3A, %get3A_82] : memref<16x4736xf32, #tpu.memory_space<vmem>>, vector<16x4480xf32>
      %swap3A = arith.constant 0 : index
      %swap3A_84 = arith.constant 0 : index
      %swap3A_85 = arith.constant 0 : index
      %swap3A_86 = arith.constant 0 : index
      %swap3A_87 = vector.load %arg2[%swap3A, %swap3A_84, %swap3A_85, %swap3A_86] : memref<1x16x8x4480xf32, #tpu.memory_space<vmem>>, vector<1x16x1x4480xf32>
      %swap3A_88 = vector.shape_cast %swap3A_87 : vector<1x16x1x4480xf32> to vector<16x4480xf32>
      %swap3A_89 = vector.shape_cast %get3A_83 : vector<16x4480xf32> to vector<1x16x1x4480xf32>
      tpu.vector_store %arg2[%swap3A, %swap3A_84, %swap3A_85, %swap3A_86], %swap3A_89 {strides = array<i32>} : memref<1x16x8x4480xf32, #tpu.memory_space<vmem>>, vector<1x16x1x4480xf32>,
      %get3A_90 = arith.constant 0 : index
      %get3A_91 = arith.constant 78 : index
      %get3A_92 = vector.load %arg3[%get3A_90, %get3A_91] : memref<16x4736xf32, #tpu.memory_space<vmem>>, vector<16x4480xf32>
      %swap3A_93 = arith.constant 0 : index
      %swap3A_94 = arith.constant 0 : index
      %swap3A_95 = arith.constant 1 : index
      %swap3A_96 = arith.constant 0 : index
      %swap3A_97 = vector.load %arg2[%swap3A_93, %swap3A_94, %swap3A_95, %swap3A_96] : memref<1x16x8x4480xf32, #tpu.memory_space<vmem>>, vector<1x16x1x4480xf32>
      %swap3A_98 = vector.shape_cast %swap3A_97 : vector<1x16x1x4480xf32> to vector<16x4480xf32>
      %swap3A_99 = vector.shape_cast %get3A_92 : vector<16x4480xf32> to vector<1x16x1x4480xf32>
      tpu.vector_store %arg2[%swap3A_93, %swap3A_94, %swap3A_95, %swap3A_96], %swap3A_99 {strides = array<i32>} : memref<1x16x8x4480xf32, #tpu.memory_space<vmem>>, vector<1x16x1x4480xf32>,
      %get3A_100 = arith.constant 0 : index
      %get3A_101 = arith.constant 77 : index
      %get3A_102 = vector.load %arg3[%get3A_100, %get3A_101] : memref<16x4736xf32, #tpu.memory_space<vmem>>, vector<16x4480xf32>
      %swap3A_103 = arith.constant 0 : index
      %swap3A_104 = arith.constant 0 : index
      %swap3A_105 = arith.constant 2 : index
      %swap3A_106 = arith.constant 0 : index
      %swap3A_107 = vector.load %arg2[%swap3A_103, %swap3A_104, %swap3A_105, %swap3A_106] : memref<1x16x8x4480xf32, #tpu.memory_space<vmem>>, vector<1x16x1x4480xf32>
      %swap3A_108 = vector.shape_cast %swap3A_107 : vector<1x16x1x4480xf32> to vector<16x4480xf32>
      %swap3A_109 = vector.shape_cast %get3A_102 : vector<16x4480xf32> to vector<1x16x1x4480xf32>
      tpu.vector_store %arg2[%swap3A_103, %swap3A_104, %swap3A_105, %swap3A_106], %swap3A_109 {strides = array<i32>} : memref<1x16x8x4480xf32, #tpu.memory_space<vmem>>, vector<1x16x1x4480xf32>,
      %get3A_110 = arith.constant 0 : index
      %get3A_111 = arith.constant 76 : index
      %get3A_112 = vector.load %arg3[%get3A_110, %get3A_111] : memref<16x4736xf32, #tpu.memory_space<vmem>>, vector<16x4480xf32>
      %swap3A_113 = arith.constant 0 : index
      %swap3A_114 = arith.constant 0 : index
      %swap3A_115 = arith.constant 3 : index
      %swap3A_116 = arith.constant 0 : index
      %swap3A_117 = vector.load %arg2[%swap3A_113, %swap3A_114, %swap3A_115, %swap3A_116] : memref<1x16x8x4480xf32, #tpu.memory_space<vmem>>, vector<1x16x1x4480xf32>
      %swap3A_118 = vector.shape_cast %swap3A_117 : vector<1x16x1x4480xf32> to vector<16x4480xf32>
      %swap3A_119 = vector.shape_cast %get3A_112 : vector<16x4480xf32> to vector<1x16x1x4480xf32>
      tpu.vector_store %arg2[%swap3A_113, %swap3A_114, %swap3A_115, %swap3A_116], %swap3A_119 {strides = array<i32>} : memref<1x16x8x4480xf32, #tpu.memory_space<vmem>>, vector<1x16x1x4480xf32>,
      %get3A_120 = arith.constant 0 : index
      %get3A_121 = arith.constant 75 : index
      %get3A_122 = vector.load %arg3[%get3A_120, %get3A_121] : memref<16x4736xf32, #tpu.memory_space<vmem>>, vector<16x4480xf32>
      %swap3A_123 = arith.constant 0 : index
      %swap3A_124 = arith.constant 0 : index
      %swap3A_125 = arith.constant 4 : index
      %swap3A_126 = arith.constant 0 : index
      %swap3A_127 = vector.load %arg2[%swap3A_123, %swap3A_124, %swap3A_125, %swap3A_126] : memref<1x16x8x4480xf32, #tpu.memory_space<vmem>>, vector<1x16x1x4480xf32>
      %swap3A_128 = vector.shape_cast %swap3A_127 : vector<1x16x1x4480xf32> to vector<16x4480xf32>
      %swap3A_129 = vector.shape_cast %get3A_122 : vector<16x4480xf32> to vector<1x16x1x4480xf32>
      tpu.vector_store %arg2[%swap3A_123, %swap3A_124, %swap3A_125, %swap3A_126], %swap3A_129 {strides = array<i32>} : memref<1x16x8x4480xf32, #tpu.memory_space<vmem>>, vector<1x16x1x4480xf32>,
      %get3A_130 = arith.constant 0 : index
      %get3A_131 = arith.constant 74 : index
      %get3A_132 = vector.load %arg3[%get3A_130, %get3A_131] : memref<16x4736xf32, #tpu.memory_space<vmem>>, vector<16x4480xf32>
      %swap3A_133 = arith.constant 0 : index
      %swap3A_134 = arith.constant 0 : index
      %swap3A_135 = arith.constant 5 : index
      %swap3A_136 = arith.constant 0 : index
      %swap3A_137 = vector.load %arg2[%swap3A_133, %swap3A_134, %swap3A_135, %swap3A_136] : memref<1x16x8x4480xf32, #tpu.memory_space<vmem>>, vector<1x16x1x4480xf32>
      %swap3A_138 = vector.shape_cast %swap3A_137 : vector<1x16x1x4480xf32> to vector<16x4480xf32>
      %swap3A_139 = vector.shape_cast %get3A_132 : vector<16x4480xf32> to vector<1x16x1x4480xf32>
      tpu.vector_store %arg2[%swap3A_133, %swap3A_134, %swap3A_135, %swap3A_136], %swap3A_139 {strides = array<i32>} : memref<1x16x8x4480xf32, #tpu.memory_space<vmem>>, vector<1x16x1x4480xf32>,
      %get3A_140 = arith.constant 0 : index
      %get3A_141 = arith.constant 73 : index
      %get3A_142 = vector.load %arg3[%get3A_140, %get3A_141] : memref<16x4736xf32, #tpu.memory_space<vmem>>, vector<16x4480xf32>
      %swap3A_143 = arith.constant 0 : index
      %swap3A_144 = arith.constant 0 : index
      %swap3A_145 = arith.constant 6 : index
      %swap3A_146 = arith.constant 0 : index
      %swap3A_147 = vector.load %arg2[%swap3A_143, %swap3A_144, %swap3A_145, %swap3A_146] : memref<1x16x8x4480xf32, #tpu.memory_space<vmem>>, vector<1x16x1x4480xf32>
      %swap3A_148 = vector.shape_cast %swap3A_147 : vector<1x16x1x4480xf32> to vector<16x4480xf32>
      %swap3A_149 = vector.shape_cast %get3A_142 : vector<16x4480xf32> to vector<1x16x1x4480xf32>
      tpu.vector_store %arg2[%swap3A_143, %swap3A_144, %swap3A_145, %swap3A_146], %swap3A_149 {strides = array<i32>} : memref<1x16x8x4480xf32, #tpu.memory_space<vmem>>, vector<1x16x1x4480xf32>,
      %get3A_150 = arith.constant 0 : index
      %get3A_151 = arith.constant 72 : index
      %get3A_152 = vector.load %arg3[%get3A_150, %get3A_151] : memref<16x4736xf32, #tpu.memory_space<vmem>>, vector<16x4480xf32>
      %swap3A_153 = arith.constant 0 : index
      %swap3A_154 = arith.constant 0 : index
      %swap3A_155 = arith.constant 7 : index
      %swap3A_156 = arith.constant 0 : index
      %swap3A_157 = vector.load %arg2[%swap3A_153, %swap3A_154, %swap3A_155, %swap3A_156] : memref<1x16x8x4480xf32, #tpu.memory_space<vmem>>, vector<1x16x1x4480xf32>
      %swap3A_158 = vector.shape_cast %swap3A_157 : vector<1x16x1x4480xf32> to vector<16x4480xf32>
      %swap3A_159 = vector.shape_cast %get3A_152 : vector<16x4480xf32> to vector<1x16x1x4480xf32>
      tpu.vector_store %arg2[%swap3A_153, %swap3A_154, %swap3A_155, %swap3A_156], %swap3A_159 {strides = array<i32>} : memref<1x16x8x4480xf32, #tpu.memory_space<vmem>>, vector<1x16x1x4480xf32>,
    } else {
    }
    %eq3A_52 = arith.constant 10 : i32
    %eq3A_53 = arith.cmpi eq, %arg0, %eq3A_52 : i32
    %convert_element_type3A_54 = arith.extui %eq3A_53 : i1 to i32
    %cond3A_55 = arith.constant 0 : i32
    %cond3A_56 = arith.cmpi ne, %convert_element_type3A_54, %cond3A_55 : i32
    scf.if %cond3A_56 {
      %get3A = arith.constant 0 : index
      %get3A_82 = arith.constant 87 : index
      %get3A_83 = vector.load %arg3[%get3A, %get3A_82] : memref<16x4736xf32, #tpu.memory_space<vmem>>, vector<16x4480xf32>
      %swap3A = arith.constant 0 : index
      %swap3A_84 = arith.constant 0 : index
      %swap3A_85 = arith.constant 0 : index
      %swap3A_86 = arith.constant 0 : index
      %swap3A_87 = vector.load %arg2[%swap3A, %swap3A_84, %swap3A_85, %swap3A_86] : memref<1x16x8x4480xf32, #tpu.memory_space<vmem>>, vector<1x16x1x4480xf32>
      %swap3A_88 = vector.shape_cast %swap3A_87 : vector<1x16x1x4480xf32> to vector<16x4480xf32>
      %swap3A_89 = vector.shape_cast %get3A_83 : vector<16x4480xf32> to vector<1x16x1x4480xf32>
      tpu.vector_store %arg2[%swap3A, %swap3A_84, %swap3A_85, %swap3A_86], %swap3A_89 {strides = array<i32>} : memref<1x16x8x4480xf32, #tpu.memory_space<vmem>>, vector<1x16x1x4480xf32>,
      %get3A_90 = arith.constant 0 : index
      %get3A_91 = arith.constant 86 : index
      %get3A_92 = vector.load %arg3[%get3A_90, %get3A_91] : memref<16x4736xf32, #tpu.memory_space<vmem>>, vector<16x4480xf32>
      %swap3A_93 = arith.constant 0 : index
      %swap3A_94 = arith.constant 0 : index
      %swap3A_95 = arith.constant 1 : index
      %swap3A_96 = arith.constant 0 : index
      %swap3A_97 = vector.load %arg2[%swap3A_93, %swap3A_94, %swap3A_95, %swap3A_96] : memref<1x16x8x4480xf32, #tpu.memory_space<vmem>>, vector<1x16x1x4480xf32>
      %swap3A_98 = vector.shape_cast %swap3A_97 : vector<1x16x1x4480xf32> to vector<16x4480xf32>
      %swap3A_99 = vector.shape_cast %get3A_92 : vector<16x4480xf32> to vector<1x16x1x4480xf32>
      tpu.vector_store %arg2[%swap3A_93, %swap3A_94, %swap3A_95, %swap3A_96], %swap3A_99 {strides = array<i32>} : memref<1x16x8x4480xf32, #tpu.memory_space<vmem>>, vector<1x16x1x4480xf32>,
      %get3A_100 = arith.constant 0 : index
      %get3A_101 = arith.constant 85 : index
      %get3A_102 = vector.load %arg3[%get3A_100, %get3A_101] : memref<16x4736xf32, #tpu.memory_space<vmem>>, vector<16x4480xf32>
      %swap3A_103 = arith.constant 0 : index
      %swap3A_104 = arith.constant 0 : index
      %swap3A_105 = arith.constant 2 : index
      %swap3A_106 = arith.constant 0 : index
      %swap3A_107 = vector.load %arg2[%swap3A_103, %swap3A_104, %swap3A_105, %swap3A_106] : memref<1x16x8x4480xf32, #tpu.memory_space<vmem>>, vector<1x16x1x4480xf32>
      %swap3A_108 = vector.shape_cast %swap3A_107 : vector<1x16x1x4480xf32> to vector<16x4480xf32>
      %swap3A_109 = vector.shape_cast %get3A_102 : vector<16x4480xf32> to vector<1x16x1x4480xf32>
      tpu.vector_store %arg2[%swap3A_103, %swap3A_104, %swap3A_105, %swap3A_106], %swap3A_109 {strides = array<i32>} : memref<1x16x8x4480xf32, #tpu.memory_space<vmem>>, vector<1x16x1x4480xf32>,
      %get3A_110 = arith.constant 0 : index
      %get3A_111 = arith.constant 84 : index
      %get3A_112 = vector.load %arg3[%get3A_110, %get3A_111] : memref<16x4736xf32, #tpu.memory_space<vmem>>, vector<16x4480xf32>
      %swap3A_113 = arith.constant 0 : index
      %swap3A_114 = arith.constant 0 : index
      %swap3A_115 = arith.constant 3 : index
      %swap3A_116 = arith.constant 0 : index
      %swap3A_117 = vector.load %arg2[%swap3A_113, %swap3A_114, %swap3A_115, %swap3A_116] : memref<1x16x8x4480xf32, #tpu.memory_space<vmem>>, vector<1x16x1x4480xf32>
      %swap3A_118 = vector.shape_cast %swap3A_117 : vector<1x16x1x4480xf32> to vector<16x4480xf32>
      %swap3A_119 = vector.shape_cast %get3A_112 : vector<16x4480xf32> to vector<1x16x1x4480xf32>
      tpu.vector_store %arg2[%swap3A_113, %swap3A_114, %swap3A_115, %swap3A_116], %swap3A_119 {strides = array<i32>} : memref<1x16x8x4480xf32, #tpu.memory_space<vmem>>, vector<1x16x1x4480xf32>,
      %get3A_120 = arith.constant 0 : index
      %get3A_121 = arith.constant 83 : index
      %get3A_122 = vector.load %arg3[%get3A_120, %get3A_121] : memref<16x4736xf32, #tpu.memory_space<vmem>>, vector<16x4480xf32>
      %swap3A_123 = arith.constant 0 : index
      %swap3A_124 = arith.constant 0 : index
      %swap3A_125 = arith.constant 4 : index
      %swap3A_126 = arith.constant 0 : index
      %swap3A_127 = vector.load %arg2[%swap3A_123, %swap3A_124, %swap3A_125, %swap3A_126] : memref<1x16x8x4480xf32, #tpu.memory_space<vmem>>, vector<1x16x1x4480xf32>
      %swap3A_128 = vector.shape_cast %swap3A_127 : vector<1x16x1x4480xf32> to vector<16x4480xf32>
      %swap3A_129 = vector.shape_cast %get3A_122 : vector<16x4480xf32> to vector<1x16x1x4480xf32>
      tpu.vector_store %arg2[%swap3A_123, %swap3A_124, %swap3A_125, %swap3A_126], %swap3A_129 {strides = array<i32>} : memref<1x16x8x4480xf32, #tpu.memory_space<vmem>>, vector<1x16x1x4480xf32>,
      %get3A_130 = arith.constant 0 : index
      %get3A_131 = arith.constant 82 : index
      %get3A_132 = vector.load %arg3[%get3A_130, %get3A_131] : memref<16x4736xf32, #tpu.memory_space<vmem>>, vector<16x4480xf32>
      %swap3A_133 = arith.constant 0 : index
      %swap3A_134 = arith.constant 0 : index
      %swap3A_135 = arith.constant 5 : index
      %swap3A_136 = arith.constant 0 : index
      %swap3A_137 = vector.load %arg2[%swap3A_133, %swap3A_134, %swap3A_135, %swap3A_136] : memref<1x16x8x4480xf32, #tpu.memory_space<vmem>>, vector<1x16x1x4480xf32>
      %swap3A_138 = vector.shape_cast %swap3A_137 : vector<1x16x1x4480xf32> to vector<16x4480xf32>
      %swap3A_139 = vector.shape_cast %get3A_132 : vector<16x4480xf32> to vector<1x16x1x4480xf32>
      tpu.vector_store %arg2[%swap3A_133, %swap3A_134, %swap3A_135, %swap3A_136], %swap3A_139 {strides = array<i32>} : memref<1x16x8x4480xf32, #tpu.memory_space<vmem>>, vector<1x16x1x4480xf32>,
      %get3A_140 = arith.constant 0 : index
      %get3A_141 = arith.constant 81 : index
      %get3A_142 = vector.load %arg3[%get3A_140, %get3A_141] : memref<16x4736xf32, #tpu.memory_space<vmem>>, vector<16x4480xf32>
      %swap3A_143 = arith.constant 0 : index
      %swap3A_144 = arith.constant 0 : index
      %swap3A_145 = arith.constant 6 : index
      %swap3A_146 = arith.constant 0 : index
      %swap3A_147 = vector.load %arg2[%swap3A_143, %swap3A_144, %swap3A_145, %swap3A_146] : memref<1x16x8x4480xf32, #tpu.memory_space<vmem>>, vector<1x16x1x4480xf32>
      %swap3A_148 = vector.shape_cast %swap3A_147 : vector<1x16x1x4480xf32> to vector<16x4480xf32>
      %swap3A_149 = vector.shape_cast %get3A_142 : vector<16x4480xf32> to vector<1x16x1x4480xf32>
      tpu.vector_store %arg2[%swap3A_143, %swap3A_144, %swap3A_145, %swap3A_146], %swap3A_149 {strides = array<i32>} : memref<1x16x8x4480xf32, #tpu.memory_space<vmem>>, vector<1x16x1x4480xf32>,
      %get3A_150 = arith.constant 0 : index
      %get3A_151 = arith.constant 80 : index
      %get3A_152 = vector.load %arg3[%get3A_150, %get3A_151] : memref<16x4736xf32, #tpu.memory_space<vmem>>, vector<16x4480xf32>
      %swap3A_153 = arith.constant 0 : index
      %swap3A_154 = arith.constant 0 : index
      %swap3A_155 = arith.constant 7 : index
      %swap3A_156 = arith.constant 0 : index
      %swap3A_157 = vector.load %arg2[%swap3A_153, %swap3A_154, %swap3A_155, %swap3A_156] : memref<1x16x8x4480xf32, #tpu.memory_space<vmem>>, vector<1x16x1x4480xf32>
      %swap3A_158 = vector.shape_cast %swap3A_157 : vector<1x16x1x4480xf32> to vector<16x4480xf32>
      %swap3A_159 = vector.shape_cast %get3A_152 : vector<16x4480xf32> to vector<1x16x1x4480xf32>
      tpu.vector_store %arg2[%swap3A_153, %swap3A_154, %swap3A_155, %swap3A_156], %swap3A_159 {strides = array<i32>} : memref<1x16x8x4480xf32, #tpu.memory_space<vmem>>, vector<1x16x1x4480xf32>,
    } else {
    }
    %eq3A_57 = arith.constant 11 : i32
    %eq3A_58 = arith.cmpi eq, %arg0, %eq3A_57 : i32
    %convert_element_type3A_59 = arith.extui %eq3A_58 : i1 to i32
    %cond3A_60 = arith.constant 0 : i32
    %cond3A_61 = arith.cmpi ne, %convert_element_type3A_59, %cond3A_60 : i32
    scf.if %cond3A_61 {
      %get3A = arith.constant 0 : index
      %get3A_82 = arith.constant 95 : index
      %get3A_83 = vector.load %arg3[%get3A, %get3A_82] : memref<16x4736xf32, #tpu.memory_space<vmem>>, vector<16x4480xf32>
      %swap3A = arith.constant 0 : index
      %swap3A_84 = arith.constant 0 : index
      %swap3A_85 = arith.constant 0 : index
      %swap3A_86 = arith.constant 0 : index
      %swap3A_87 = vector.load %arg2[%swap3A, %swap3A_84, %swap3A_85, %swap3A_86] : memref<1x16x8x4480xf32, #tpu.memory_space<vmem>>, vector<1x16x1x4480xf32>
      %swap3A_88 = vector.shape_cast %swap3A_87 : vector<1x16x1x4480xf32> to vector<16x4480xf32>
      %swap3A_89 = vector.shape_cast %get3A_83 : vector<16x4480xf32> to vector<1x16x1x4480xf32>
      tpu.vector_store %arg2[%swap3A, %swap3A_84, %swap3A_85, %swap3A_86], %swap3A_89 {strides = array<i32>} : memref<1x16x8x4480xf32, #tpu.memory_space<vmem>>, vector<1x16x1x4480xf32>,
      %get3A_90 = arith.constant 0 : index
      %get3A_91 = arith.constant 94 : index
      %get3A_92 = vector.load %arg3[%get3A_90, %get3A_91] : memref<16x4736xf32, #tpu.memory_space<vmem>>, vector<16x4480xf32>
      %swap3A_93 = arith.constant 0 : index
      %swap3A_94 = arith.constant 0 : index
      %swap3A_95 = arith.constant 1 : index
      %swap3A_96 = arith.constant 0 : index
      %swap3A_97 = vector.load %arg2[%swap3A_93, %swap3A_94, %swap3A_95, %swap3A_96] : memref<1x16x8x4480xf32, #tpu.memory_space<vmem>>, vector<1x16x1x4480xf32>
      %swap3A_98 = vector.shape_cast %swap3A_97 : vector<1x16x1x4480xf32> to vector<16x4480xf32>
      %swap3A_99 = vector.shape_cast %get3A_92 : vector<16x4480xf32> to vector<1x16x1x4480xf32>
      tpu.vector_store %arg2[%swap3A_93, %swap3A_94, %swap3A_95, %swap3A_96], %swap3A_99 {strides = array<i32>} : memref<1x16x8x4480xf32, #tpu.memory_space<vmem>>, vector<1x16x1x4480xf32>,
      %get3A_100 = arith.constant 0 : index
      %get3A_101 = arith.constant 93 : index
      %get3A_102 = vector.load %arg3[%get3A_100, %get3A_101] : memref<16x4736xf32, #tpu.memory_space<vmem>>, vector<16x4480xf32>
      %swap3A_103 = arith.constant 0 : index
      %swap3A_104 = arith.constant 0 : index
      %swap3A_105 = arith.constant 2 : index
      %swap3A_106 = arith.constant 0 : index
      %swap3A_107 = vector.load %arg2[%swap3A_103, %swap3A_104, %swap3A_105, %swap3A_106] : memref<1x16x8x4480xf32, #tpu.memory_space<vmem>>, vector<1x16x1x4480xf32>
      %swap3A_108 = vector.shape_cast %swap3A_107 : vector<1x16x1x4480xf32> to vector<16x4480xf32>
      %swap3A_109 = vector.shape_cast %get3A_102 : vector<16x4480xf32> to vector<1x16x1x4480xf32>
      tpu.vector_store %arg2[%swap3A_103, %swap3A_104, %swap3A_105, %swap3A_106], %swap3A_109 {strides = array<i32>} : memref<1x16x8x4480xf32, #tpu.memory_space<vmem>>, vector<1x16x1x4480xf32>,
      %get3A_110 = arith.constant 0 : index
      %get3A_111 = arith.constant 92 : index
      %get3A_112 = vector.load %arg3[%get3A_110, %get3A_111] : memref<16x4736xf32, #tpu.memory_space<vmem>>, vector<16x4480xf32>
      %swap3A_113 = arith.constant 0 : index
      %swap3A_114 = arith.constant 0 : index
      %swap3A_115 = arith.constant 3 : index
      %swap3A_116 = arith.constant 0 : index
      %swap3A_117 = vector.load %arg2[%swap3A_113, %swap3A_114, %swap3A_115, %swap3A_116] : memref<1x16x8x4480xf32, #tpu.memory_space<vmem>>, vector<1x16x1x4480xf32>
      %swap3A_118 = vector.shape_cast %swap3A_117 : vector<1x16x1x4480xf32> to vector<16x4480xf32>
      %swap3A_119 = vector.shape_cast %get3A_112 : vector<16x4480xf32> to vector<1x16x1x4480xf32>
      tpu.vector_store %arg2[%swap3A_113, %swap3A_114, %swap3A_115, %swap3A_116], %swap3A_119 {strides = array<i32>} : memref<1x16x8x4480xf32, #tpu.memory_space<vmem>>, vector<1x16x1x4480xf32>,
      %get3A_120 = arith.constant 0 : index
      %get3A_121 = arith.constant 91 : index
      %get3A_122 = vector.load %arg3[%get3A_120, %get3A_121] : memref<16x4736xf32, #tpu.memory_space<vmem>>, vector<16x4480xf32>
      %swap3A_123 = arith.constant 0 : index
      %swap3A_124 = arith.constant 0 : index
      %swap3A_125 = arith.constant 4 : index
      %swap3A_126 = arith.constant 0 : index
      %swap3A_127 = vector.load %arg2[%swap3A_123, %swap3A_124, %swap3A_125, %swap3A_126] : memref<1x16x8x4480xf32, #tpu.memory_space<vmem>>, vector<1x16x1x4480xf32>
      %swap3A_128 = vector.shape_cast %swap3A_127 : vector<1x16x1x4480xf32> to vector<16x4480xf32>
      %swap3A_129 = vector.shape_cast %get3A_122 : vector<16x4480xf32> to vector<1x16x1x4480xf32>
      tpu.vector_store %arg2[%swap3A_123, %swap3A_124, %swap3A_125, %swap3A_126], %swap3A_129 {strides = array<i32>} : memref<1x16x8x4480xf32, #tpu.memory_space<vmem>>, vector<1x16x1x4480xf32>,
      %get3A_130 = arith.constant 0 : index
      %get3A_131 = arith.constant 90 : index
      %get3A_132 = vector.load %arg3[%get3A_130, %get3A_131] : memref<16x4736xf32, #tpu.memory_space<vmem>>, vector<16x4480xf32>
      %swap3A_133 = arith.constant 0 : index
      %swap3A_134 = arith.constant 0 : index
      %swap3A_135 = arith.constant 5 : index
      %swap3A_136 = arith.constant 0 : index
      %swap3A_137 = vector.load %arg2[%swap3A_133, %swap3A_134, %swap3A_135, %swap3A_136] : memref<1x16x8x4480xf32, #tpu.memory_space<vmem>>, vector<1x16x1x4480xf32>
      %swap3A_138 = vector.shape_cast %swap3A_137 : vector<1x16x1x4480xf32> to vector<16x4480xf32>
      %swap3A_139 = vector.shape_cast %get3A_132 : vector<16x4480xf32> to vector<1x16x1x4480xf32>
      tpu.vector_store %arg2[%swap3A_133, %swap3A_134, %swap3A_135, %swap3A_136], %swap3A_139 {strides = array<i32>} : memref<1x16x8x4480xf32, #tpu.memory_space<vmem>>, vector<1x16x1x4480xf32>,
      %get3A_140 = arith.constant 0 : index
      %get3A_141 = arith.constant 89 : index
      %get3A_142 = vector.load %arg3[%get3A_140, %get3A_141] : memref<16x4736xf32, #tpu.memory_space<vmem>>, vector<16x4480xf32>
      %swap3A_143 = arith.constant 0 : index
      %swap3A_144 = arith.constant 0 : index
      %swap3A_145 = arith.constant 6 : index
      %swap3A_146 = arith.constant 0 : index
      %swap3A_147 = vector.load %arg2[%swap3A_143, %swap3A_144, %swap3A_145, %swap3A_146] : memref<1x16x8x4480xf32, #tpu.memory_space<vmem>>, vector<1x16x1x4480xf32>
      %swap3A_148 = vector.shape_cast %swap3A_147 : vector<1x16x1x4480xf32> to vector<16x4480xf32>
      %swap3A_149 = vector.shape_cast %get3A_142 : vector<16x4480xf32> to vector<1x16x1x4480xf32>
      tpu.vector_store %arg2[%swap3A_143, %swap3A_144, %swap3A_145, %swap3A_146], %swap3A_149 {strides = array<i32>} : memref<1x16x8x4480xf32, #tpu.memory_space<vmem>>, vector<1x16x1x4480xf32>,
      %get3A_150 = arith.constant 0 : index
      %get3A_151 = arith.constant 88 : index
      %get3A_152 = vector.load %arg3[%get3A_150, %get3A_151] : memref<16x4736xf32, #tpu.memory_space<vmem>>, vector<16x4480xf32>
      %swap3A_153 = arith.constant 0 : index
      %swap3A_154 = arith.constant 0 : index
      %swap3A_155 = arith.constant 7 : index
      %swap3A_156 = arith.constant 0 : index
      %swap3A_157 = vector.load %arg2[%swap3A_153, %swap3A_154, %swap3A_155, %swap3A_156] : memref<1x16x8x4480xf32, #tpu.memory_space<vmem>>, vector<1x16x1x4480xf32>
      %swap3A_158 = vector.shape_cast %swap3A_157 : vector<1x16x1x4480xf32> to vector<16x4480xf32>
      %swap3A_159 = vector.shape_cast %get3A_152 : vector<16x4480xf32> to vector<1x16x1x4480xf32>
      tpu.vector_store %arg2[%swap3A_153, %swap3A_154, %swap3A_155, %swap3A_156], %swap3A_159 {strides = array<i32>} : memref<1x16x8x4480xf32, #tpu.memory_space<vmem>>, vector<1x16x1x4480xf32>,
    } else {
    }
    %eq3A_62 = arith.constant 12 : i32
    %eq3A_63 = arith.cmpi eq, %arg0, %eq3A_62 : i32
    %convert_element_type3A_64 = arith.extui %eq3A_63 : i1 to i32
    %cond3A_65 = arith.constant 0 : i32
    %cond3A_66 = arith.cmpi ne, %convert_element_type3A_64, %cond3A_65 : i32
    scf.if %cond3A_66 {
      %get3A = arith.constant 0 : index
      %get3A_82 = arith.constant 103 : index
      %get3A_83 = vector.load %arg3[%get3A, %get3A_82] : memref<16x4736xf32, #tpu.memory_space<vmem>>, vector<16x4480xf32>
      %swap3A = arith.constant 0 : index
      %swap3A_84 = arith.constant 0 : index
      %swap3A_85 = arith.constant 0 : index
      %swap3A_86 = arith.constant 0 : index
      %swap3A_87 = vector.load %arg2[%swap3A, %swap3A_84, %swap3A_85, %swap3A_86] : memref<1x16x8x4480xf32, #tpu.memory_space<vmem>>, vector<1x16x1x4480xf32>
      %swap3A_88 = vector.shape_cast %swap3A_87 : vector<1x16x1x4480xf32> to vector<16x4480xf32>
      %swap3A_89 = vector.shape_cast %get3A_83 : vector<16x4480xf32> to vector<1x16x1x4480xf32>
      tpu.vector_store %arg2[%swap3A, %swap3A_84, %swap3A_85, %swap3A_86], %swap3A_89 {strides = array<i32>} : memref<1x16x8x4480xf32, #tpu.memory_space<vmem>>, vector<1x16x1x4480xf32>,
      %get3A_90 = arith.constant 0 : index
      %get3A_91 = arith.constant 102 : index
      %get3A_92 = vector.load %arg3[%get3A_90, %get3A_91] : memref<16x4736xf32, #tpu.memory_space<vmem>>, vector<16x4480xf32>
      %swap3A_93 = arith.constant 0 : index
      %swap3A_94 = arith.constant 0 : index
      %swap3A_95 = arith.constant 1 : index
      %swap3A_96 = arith.constant 0 : index
      %swap3A_97 = vector.load %arg2[%swap3A_93, %swap3A_94, %swap3A_95, %swap3A_96] : memref<1x16x8x4480xf32, #tpu.memory_space<vmem>>, vector<1x16x1x4480xf32>
      %swap3A_98 = vector.shape_cast %swap3A_97 : vector<1x16x1x4480xf32> to vector<16x4480xf32>
      %swap3A_99 = vector.shape_cast %get3A_92 : vector<16x4480xf32> to vector<1x16x1x4480xf32>
      tpu.vector_store %arg2[%swap3A_93, %swap3A_94, %swap3A_95, %swap3A_96], %swap3A_99 {strides = array<i32>} : memref<1x16x8x4480xf32, #tpu.memory_space<vmem>>, vector<1x16x1x4480xf32>,
      %get3A_100 = arith.constant 0 : index
      %get3A_101 = arith.constant 101 : index
      %get3A_102 = vector.load %arg3[%get3A_100, %get3A_101] : memref<16x4736xf32, #tpu.memory_space<vmem>>, vector<16x4480xf32>
      %swap3A_103 = arith.constant 0 : index
      %swap3A_104 = arith.constant 0 : index
      %swap3A_105 = arith.constant 2 : index
      %swap3A_106 = arith.constant 0 : index
      %swap3A_107 = vector.load %arg2[%swap3A_103, %swap3A_104, %swap3A_105, %swap3A_106] : memref<1x16x8x4480xf32, #tpu.memory_space<vmem>>, vector<1x16x1x4480xf32>
      %swap3A_108 = vector.shape_cast %swap3A_107 : vector<1x16x1x4480xf32> to vector<16x4480xf32>
      %swap3A_109 = vector.shape_cast %get3A_102 : vector<16x4480xf32> to vector<1x16x1x4480xf32>
      tpu.vector_store %arg2[%swap3A_103, %swap3A_104, %swap3A_105, %swap3A_106], %swap3A_109 {strides = array<i32>} : memref<1x16x8x4480xf32, #tpu.memory_space<vmem>>, vector<1x16x1x4480xf32>,
      %get3A_110 = arith.constant 0 : index
      %get3A_111 = arith.constant 100 : index
      %get3A_112 = vector.load %arg3[%get3A_110, %get3A_111] : memref<16x4736xf32, #tpu.memory_space<vmem>>, vector<16x4480xf32>
      %swap3A_113 = arith.constant 0 : index
      %swap3A_114 = arith.constant 0 : index
      %swap3A_115 = arith.constant 3 : index
      %swap3A_116 = arith.constant 0 : index
      %swap3A_117 = vector.load %arg2[%swap3A_113, %swap3A_114, %swap3A_115, %swap3A_116] : memref<1x16x8x4480xf32, #tpu.memory_space<vmem>>, vector<1x16x1x4480xf32>
      %swap3A_118 = vector.shape_cast %swap3A_117 : vector<1x16x1x4480xf32> to vector<16x4480xf32>
      %swap3A_119 = vector.shape_cast %get3A_112 : vector<16x4480xf32> to vector<1x16x1x4480xf32>
      tpu.vector_store %arg2[%swap3A_113, %swap3A_114, %swap3A_115, %swap3A_116], %swap3A_119 {strides = array<i32>} : memref<1x16x8x4480xf32, #tpu.memory_space<vmem>>, vector<1x16x1x4480xf32>,
      %get3A_120 = arith.constant 0 : index
      %get3A_121 = arith.constant 99 : index
      %get3A_122 = vector.load %arg3[%get3A_120, %get3A_121] : memref<16x4736xf32, #tpu.memory_space<vmem>>, vector<16x4480xf32>
      %swap3A_123 = arith.constant 0 : index
      %swap3A_124 = arith.constant 0 : index
      %swap3A_125 = arith.constant 4 : index
      %swap3A_126 = arith.constant 0 : index
      %swap3A_127 = vector.load %arg2[%swap3A_123, %swap3A_124, %swap3A_125, %swap3A_126] : memref<1x16x8x4480xf32, #tpu.memory_space<vmem>>, vector<1x16x1x4480xf32>
      %swap3A_128 = vector.shape_cast %swap3A_127 : vector<1x16x1x4480xf32> to vector<16x4480xf32>
      %swap3A_129 = vector.shape_cast %get3A_122 : vector<16x4480xf32> to vector<1x16x1x4480xf32>
      tpu.vector_store %arg2[%swap3A_123, %swap3A_124, %swap3A_125, %swap3A_126], %swap3A_129 {strides = array<i32>} : memref<1x16x8x4480xf32, #tpu.memory_space<vmem>>, vector<1x16x1x4480xf32>,
      %get3A_130 = arith.constant 0 : index
      %get3A_131 = arith.constant 98 : index
      %get3A_132 = vector.load %arg3[%get3A_130, %get3A_131] : memref<16x4736xf32, #tpu.memory_space<vmem>>, vector<16x4480xf32>
      %swap3A_133 = arith.constant 0 : index
      %swap3A_134 = arith.constant 0 : index
      %swap3A_135 = arith.constant 5 : index
      %swap3A_136 = arith.constant 0 : index
      %swap3A_137 = vector.load %arg2[%swap3A_133, %swap3A_134, %swap3A_135, %swap3A_136] : memref<1x16x8x4480xf32, #tpu.memory_space<vmem>>, vector<1x16x1x4480xf32>
      %swap3A_138 = vector.shape_cast %swap3A_137 : vector<1x16x1x4480xf32> to vector<16x4480xf32>
      %swap3A_139 = vector.shape_cast %get3A_132 : vector<16x4480xf32> to vector<1x16x1x4480xf32>
      tpu.vector_store %arg2[%swap3A_133, %swap3A_134, %swap3A_135, %swap3A_136], %swap3A_139 {strides = array<i32>} : memref<1x16x8x4480xf32, #tpu.memory_space<vmem>>, vector<1x16x1x4480xf32>,
      %get3A_140 = arith.constant 0 : index
      %get3A_141 = arith.constant 97 : index
      %get3A_142 = vector.load %arg3[%get3A_140, %get3A_141] : memref<16x4736xf32, #tpu.memory_space<vmem>>, vector<16x4480xf32>
      %swap3A_143 = arith.constant 0 : index
      %swap3A_144 = arith.constant 0 : index
      %swap3A_145 = arith.constant 6 : index
      %swap3A_146 = arith.constant 0 : index
      %swap3A_147 = vector.load %arg2[%swap3A_143, %swap3A_144, %swap3A_145, %swap3A_146] : memref<1x16x8x4480xf32, #tpu.memory_space<vmem>>, vector<1x16x1x4480xf32>
      %swap3A_148 = vector.shape_cast %swap3A_147 : vector<1x16x1x4480xf32> to vector<16x4480xf32>
      %swap3A_149 = vector.shape_cast %get3A_142 : vector<16x4480xf32> to vector<1x16x1x4480xf32>
      tpu.vector_store %arg2[%swap3A_143, %swap3A_144, %swap3A_145, %swap3A_146], %swap3A_149 {strides = array<i32>} : memref<1x16x8x4480xf32, #tpu.memory_space<vmem>>, vector<1x16x1x4480xf32>,
      %get3A_150 = arith.constant 0 : index
      %get3A_151 = arith.constant 96 : index
      %get3A_152 = vector.load %arg3[%get3A_150, %get3A_151] : memref<16x4736xf32, #tpu.memory_space<vmem>>, vector<16x4480xf32>
      %swap3A_153 = arith.constant 0 : index
      %swap3A_154 = arith.constant 0 : index
      %swap3A_155 = arith.constant 7 : index
      %swap3A_156 = arith.constant 0 : index
      %swap3A_157 = vector.load %arg2[%swap3A_153, %swap3A_154, %swap3A_155, %swap3A_156] : memref<1x16x8x4480xf32, #tpu.memory_space<vmem>>, vector<1x16x1x4480xf32>
      %swap3A_158 = vector.shape_cast %swap3A_157 : vector<1x16x1x4480xf32> to vector<16x4480xf32>
      %swap3A_159 = vector.shape_cast %get3A_152 : vector<16x4480xf32> to vector<1x16x1x4480xf32>
      tpu.vector_store %arg2[%swap3A_153, %swap3A_154, %swap3A_155, %swap3A_156], %swap3A_159 {strides = array<i32>} : memref<1x16x8x4480xf32, #tpu.memory_space<vmem>>, vector<1x16x1x4480xf32>,
    } else {
    }
    %eq3A_67 = arith.constant 13 : i32
    %eq3A_68 = arith.cmpi eq, %arg0, %eq3A_67 : i32
    %convert_element_type3A_69 = arith.extui %eq3A_68 : i1 to i32
    %cond3A_70 = arith.constant 0 : i32
    %cond3A_71 = arith.cmpi ne, %convert_element_type3A_69, %cond3A_70 : i32
    scf.if %cond3A_71 {
      %get3A = arith.constant 0 : index
      %get3A_82 = arith.constant 111 : index
      %get3A_83 = vector.load %arg3[%get3A, %get3A_82] : memref<16x4736xf32, #tpu.memory_space<vmem>>, vector<16x4480xf32>
      %swap3A = arith.constant 0 : index
      %swap3A_84 = arith.constant 0 : index
      %swap3A_85 = arith.constant 0 : index
      %swap3A_86 = arith.constant 0 : index
      %swap3A_87 = vector.load %arg2[%swap3A, %swap3A_84, %swap3A_85, %swap3A_86] : memref<1x16x8x4480xf32, #tpu.memory_space<vmem>>, vector<1x16x1x4480xf32>
      %swap3A_88 = vector.shape_cast %swap3A_87 : vector<1x16x1x4480xf32> to vector<16x4480xf32>
      %swap3A_89 = vector.shape_cast %get3A_83 : vector<16x4480xf32> to vector<1x16x1x4480xf32>
      tpu.vector_store %arg2[%swap3A, %swap3A_84, %swap3A_85, %swap3A_86], %swap3A_89 {strides = array<i32>} : memref<1x16x8x4480xf32, #tpu.memory_space<vmem>>, vector<1x16x1x4480xf32>,
      %get3A_90 = arith.constant 0 : index
      %get3A_91 = arith.constant 110 : index
      %get3A_92 = vector.load %arg3[%get3A_90, %get3A_91] : memref<16x4736xf32, #tpu.memory_space<vmem>>, vector<16x4480xf32>
      %swap3A_93 = arith.constant 0 : index
      %swap3A_94 = arith.constant 0 : index
      %swap3A_95 = arith.constant 1 : index
      %swap3A_96 = arith.constant 0 : index
      %swap3A_97 = vector.load %arg2[%swap3A_93, %swap3A_94, %swap3A_95, %swap3A_96] : memref<1x16x8x4480xf32, #tpu.memory_space<vmem>>, vector<1x16x1x4480xf32>
      %swap3A_98 = vector.shape_cast %swap3A_97 : vector<1x16x1x4480xf32> to vector<16x4480xf32>
      %swap3A_99 = vector.shape_cast %get3A_92 : vector<16x4480xf32> to vector<1x16x1x4480xf32>
      tpu.vector_store %arg2[%swap3A_93, %swap3A_94, %swap3A_95, %swap3A_96], %swap3A_99 {strides = array<i32>} : memref<1x16x8x4480xf32, #tpu.memory_space<vmem>>, vector<1x16x1x4480xf32>,
      %get3A_100 = arith.constant 0 : index
      %get3A_101 = arith.constant 109 : index
      %get3A_102 = vector.load %arg3[%get3A_100, %get3A_101] : memref<16x4736xf32, #tpu.memory_space<vmem>>, vector<16x4480xf32>
      %swap3A_103 = arith.constant 0 : index
      %swap3A_104 = arith.constant 0 : index
      %swap3A_105 = arith.constant 2 : index
      %swap3A_106 = arith.constant 0 : index
      %swap3A_107 = vector.load %arg2[%swap3A_103, %swap3A_104, %swap3A_105, %swap3A_106] : memref<1x16x8x4480xf32, #tpu.memory_space<vmem>>, vector<1x16x1x4480xf32>
      %swap3A_108 = vector.shape_cast %swap3A_107 : vector<1x16x1x4480xf32> to vector<16x4480xf32>
      %swap3A_109 = vector.shape_cast %get3A_102 : vector<16x4480xf32> to vector<1x16x1x4480xf32>
      tpu.vector_store %arg2[%swap3A_103, %swap3A_104, %swap3A_105, %swap3A_106], %swap3A_109 {strides = array<i32>} : memref<1x16x8x4480xf32, #tpu.memory_space<vmem>>, vector<1x16x1x4480xf32>,
      %get3A_110 = arith.constant 0 : index
      %get3A_111 = arith.constant 108 : index
      %get3A_112 = vector.load %arg3[%get3A_110, %get3A_111] : memref<16x4736xf32, #tpu.memory_space<vmem>>, vector<16x4480xf32>
      %swap3A_113 = arith.constant 0 : index
      %swap3A_114 = arith.constant 0 : index
      %swap3A_115 = arith.constant 3 : index
      %swap3A_116 = arith.constant 0 : index
      %swap3A_117 = vector.load %arg2[%swap3A_113, %swap3A_114, %swap3A_115, %swap3A_116] : memref<1x16x8x4480xf32, #tpu.memory_space<vmem>>, vector<1x16x1x4480xf32>
      %swap3A_118 = vector.shape_cast %swap3A_117 : vector<1x16x1x4480xf32> to vector<16x4480xf32>
      %swap3A_119 = vector.shape_cast %get3A_112 : vector<16x4480xf32> to vector<1x16x1x4480xf32>
      tpu.vector_store %arg2[%swap3A_113, %swap3A_114, %swap3A_115, %swap3A_116], %swap3A_119 {strides = array<i32>} : memref<1x16x8x4480xf32, #tpu.memory_space<vmem>>, vector<1x16x1x4480xf32>,
      %get3A_120 = arith.constant 0 : index
      %get3A_121 = arith.constant 107 : index
      %get3A_122 = vector.load %arg3[%get3A_120, %get3A_121] : memref<16x4736xf32, #tpu.memory_space<vmem>>, vector<16x4480xf32>
      %swap3A_123 = arith.constant 0 : index
      %swap3A_124 = arith.constant 0 : index
      %swap3A_125 = arith.constant 4 : index
      %swap3A_126 = arith.constant 0 : index
      %swap3A_127 = vector.load %arg2[%swap3A_123, %swap3A_124, %swap3A_125, %swap3A_126] : memref<1x16x8x4480xf32, #tpu.memory_space<vmem>>, vector<1x16x1x4480xf32>
      %swap3A_128 = vector.shape_cast %swap3A_127 : vector<1x16x1x4480xf32> to vector<16x4480xf32>
      %swap3A_129 = vector.shape_cast %get3A_122 : vector<16x4480xf32> to vector<1x16x1x4480xf32>
      tpu.vector_store %arg2[%swap3A_123, %swap3A_124, %swap3A_125, %swap3A_126], %swap3A_129 {strides = array<i32>} : memref<1x16x8x4480xf32, #tpu.memory_space<vmem>>, vector<1x16x1x4480xf32>,
      %get3A_130 = arith.constant 0 : index
      %get3A_131 = arith.constant 106 : index
      %get3A_132 = vector.load %arg3[%get3A_130, %get3A_131] : memref<16x4736xf32, #tpu.memory_space<vmem>>, vector<16x4480xf32>
      %swap3A_133 = arith.constant 0 : index
      %swap3A_134 = arith.constant 0 : index
      %swap3A_135 = arith.constant 5 : index
      %swap3A_136 = arith.constant 0 : index
      %swap3A_137 = vector.load %arg2[%swap3A_133, %swap3A_134, %swap3A_135, %swap3A_136] : memref<1x16x8x4480xf32, #tpu.memory_space<vmem>>, vector<1x16x1x4480xf32>
      %swap3A_138 = vector.shape_cast %swap3A_137 : vector<1x16x1x4480xf32> to vector<16x4480xf32>
      %swap3A_139 = vector.shape_cast %get3A_132 : vector<16x4480xf32> to vector<1x16x1x4480xf32>
      tpu.vector_store %arg2[%swap3A_133, %swap3A_134, %swap3A_135, %swap3A_136], %swap3A_139 {strides = array<i32>} : memref<1x16x8x4480xf32, #tpu.memory_space<vmem>>, vector<1x16x1x4480xf32>,
      %get3A_140 = arith.constant 0 : index
      %get3A_141 = arith.constant 105 : index
      %get3A_142 = vector.load %arg3[%get3A_140, %get3A_141] : memref<16x4736xf32, #tpu.memory_space<vmem>>, vector<16x4480xf32>
      %swap3A_143 = arith.constant 0 : index
      %swap3A_144 = arith.constant 0 : index
      %swap3A_145 = arith.constant 6 : index
      %swap3A_146 = arith.constant 0 : index
      %swap3A_147 = vector.load %arg2[%swap3A_143, %swap3A_144, %swap3A_145, %swap3A_146] : memref<1x16x8x4480xf32, #tpu.memory_space<vmem>>, vector<1x16x1x4480xf32>
      %swap3A_148 = vector.shape_cast %swap3A_147 : vector<1x16x1x4480xf32> to vector<16x4480xf32>
      %swap3A_149 = vector.shape_cast %get3A_142 : vector<16x4480xf32> to vector<1x16x1x4480xf32>
      tpu.vector_store %arg2[%swap3A_143, %swap3A_144, %swap3A_145, %swap3A_146], %swap3A_149 {strides = array<i32>} : memref<1x16x8x4480xf32, #tpu.memory_space<vmem>>, vector<1x16x1x4480xf32>,
      %get3A_150 = arith.constant 0 : index
      %get3A_151 = arith.constant 104 : index
      %get3A_152 = vector.load %arg3[%get3A_150, %get3A_151] : memref<16x4736xf32, #tpu.memory_space<vmem>>, vector<16x4480xf32>
      %swap3A_153 = arith.constant 0 : index
      %swap3A_154 = arith.constant 0 : index
      %swap3A_155 = arith.constant 7 : index
      %swap3A_156 = arith.constant 0 : index
      %swap3A_157 = vector.load %arg2[%swap3A_153, %swap3A_154, %swap3A_155, %swap3A_156] : memref<1x16x8x4480xf32, #tpu.memory_space<vmem>>, vector<1x16x1x4480xf32>
      %swap3A_158 = vector.shape_cast %swap3A_157 : vector<1x16x1x4480xf32> to vector<16x4480xf32>
      %swap3A_159 = vector.shape_cast %get3A_152 : vector<16x4480xf32> to vector<1x16x1x4480xf32>
      tpu.vector_store %arg2[%swap3A_153, %swap3A_154, %swap3A_155, %swap3A_156], %swap3A_159 {strides = array<i32>} : memref<1x16x8x4480xf32, #tpu.memory_space<vmem>>, vector<1x16x1x4480xf32>,
    } else {
    }
    %eq3A_72 = arith.constant 14 : i32
    %eq3A_73 = arith.cmpi eq, %arg0, %eq3A_72 : i32
    %convert_element_type3A_74 = arith.extui %eq3A_73 : i1 to i32
    %cond3A_75 = arith.constant 0 : i32
    %cond3A_76 = arith.cmpi ne, %convert_element_type3A_74, %cond3A_75 : i32
    scf.if %cond3A_76 {
      %get3A = arith.constant 0 : index
      %get3A_82 = arith.constant 119 : index
      %get3A_83 = vector.load %arg3[%get3A, %get3A_82] : memref<16x4736xf32, #tpu.memory_space<vmem>>, vector<16x4480xf32>
      %swap3A = arith.constant 0 : index
      %swap3A_84 = arith.constant 0 : index
      %swap3A_85 = arith.constant 0 : index
      %swap3A_86 = arith.constant 0 : index
      %swap3A_87 = vector.load %arg2[%swap3A, %swap3A_84, %swap3A_85, %swap3A_86] : memref<1x16x8x4480xf32, #tpu.memory_space<vmem>>, vector<1x16x1x4480xf32>
      %swap3A_88 = vector.shape_cast %swap3A_87 : vector<1x16x1x4480xf32> to vector<16x4480xf32>
      %swap3A_89 = vector.shape_cast %get3A_83 : vector<16x4480xf32> to vector<1x16x1x4480xf32>
      tpu.vector_store %arg2[%swap3A, %swap3A_84, %swap3A_85, %swap3A_86], %swap3A_89 {strides = array<i32>} : memref<1x16x8x4480xf32, #tpu.memory_space<vmem>>, vector<1x16x1x4480xf32>,
      %get3A_90 = arith.constant 0 : index
      %get3A_91 = arith.constant 118 : index
      %get3A_92 = vector.load %arg3[%get3A_90, %get3A_91] : memref<16x4736xf32, #tpu.memory_space<vmem>>, vector<16x4480xf32>
      %swap3A_93 = arith.constant 0 : index
      %swap3A_94 = arith.constant 0 : index
      %swap3A_95 = arith.constant 1 : index
      %swap3A_96 = arith.constant 0 : index
      %swap3A_97 = vector.load %arg2[%swap3A_93, %swap3A_94, %swap3A_95, %swap3A_96] : memref<1x16x8x4480xf32, #tpu.memory_space<vmem>>, vector<1x16x1x4480xf32>
      %swap3A_98 = vector.shape_cast %swap3A_97 : vector<1x16x1x4480xf32> to vector<16x4480xf32>
      %swap3A_99 = vector.shape_cast %get3A_92 : vector<16x4480xf32> to vector<1x16x1x4480xf32>
      tpu.vector_store %arg2[%swap3A_93, %swap3A_94, %swap3A_95, %swap3A_96], %swap3A_99 {strides = array<i32>} : memref<1x16x8x4480xf32, #tpu.memory_space<vmem>>, vector<1x16x1x4480xf32>,
      %get3A_100 = arith.constant 0 : index
      %get3A_101 = arith.constant 117 : index
      %get3A_102 = vector.load %arg3[%get3A_100, %get3A_101] : memref<16x4736xf32, #tpu.memory_space<vmem>>, vector<16x4480xf32>
      %swap3A_103 = arith.constant 0 : index
      %swap3A_104 = arith.constant 0 : index
      %swap3A_105 = arith.constant 2 : index
      %swap3A_106 = arith.constant 0 : index
      %swap3A_107 = vector.load %arg2[%swap3A_103, %swap3A_104, %swap3A_105, %swap3A_106] : memref<1x16x8x4480xf32, #tpu.memory_space<vmem>>, vector<1x16x1x4480xf32>
      %swap3A_108 = vector.shape_cast %swap3A_107 : vector<1x16x1x4480xf32> to vector<16x4480xf32>
      %swap3A_109 = vector.shape_cast %get3A_102 : vector<16x4480xf32> to vector<1x16x1x4480xf32>
      tpu.vector_store %arg2[%swap3A_103, %swap3A_104, %swap3A_105, %swap3A_106], %swap3A_109 {strides = array<i32>} : memref<1x16x8x4480xf32, #tpu.memory_space<vmem>>, vector<1x16x1x4480xf32>,
      %get3A_110 = arith.constant 0 : index
      %get3A_111 = arith.constant 116 : index
      %get3A_112 = vector.load %arg3[%get3A_110, %get3A_111] : memref<16x4736xf32, #tpu.memory_space<vmem>>, vector<16x4480xf32>
      %swap3A_113 = arith.constant 0 : index
      %swap3A_114 = arith.constant 0 : index
      %swap3A_115 = arith.constant 3 : index
      %swap3A_116 = arith.constant 0 : index
      %swap3A_117 = vector.load %arg2[%swap3A_113, %swap3A_114, %swap3A_115, %swap3A_116] : memref<1x16x8x4480xf32, #tpu.memory_space<vmem>>, vector<1x16x1x4480xf32>
      %swap3A_118 = vector.shape_cast %swap3A_117 : vector<1x16x1x4480xf32> to vector<16x4480xf32>
      %swap3A_119 = vector.shape_cast %get3A_112 : vector<16x4480xf32> to vector<1x16x1x4480xf32>
      tpu.vector_store %arg2[%swap3A_113, %swap3A_114, %swap3A_115, %swap3A_116], %swap3A_119 {strides = array<i32>} : memref<1x16x8x4480xf32, #tpu.memory_space<vmem>>, vector<1x16x1x4480xf32>,
      %get3A_120 = arith.constant 0 : index
      %get3A_121 = arith.constant 115 : index
      %get3A_122 = vector.load %arg3[%get3A_120, %get3A_121] : memref<16x4736xf32, #tpu.memory_space<vmem>>, vector<16x4480xf32>
      %swap3A_123 = arith.constant 0 : index
      %swap3A_124 = arith.constant 0 : index
      %swap3A_125 = arith.constant 4 : index
      %swap3A_126 = arith.constant 0 : index
      %swap3A_127 = vector.load %arg2[%swap3A_123, %swap3A_124, %swap3A_125, %swap3A_126] : memref<1x16x8x4480xf32, #tpu.memory_space<vmem>>, vector<1x16x1x4480xf32>
      %swap3A_128 = vector.shape_cast %swap3A_127 : vector<1x16x1x4480xf32> to vector<16x4480xf32>
      %swap3A_129 = vector.shape_cast %get3A_122 : vector<16x4480xf32> to vector<1x16x1x4480xf32>
      tpu.vector_store %arg2[%swap3A_123, %swap3A_124, %swap3A_125, %swap3A_126], %swap3A_129 {strides = array<i32>} : memref<1x16x8x4480xf32, #tpu.memory_space<vmem>>, vector<1x16x1x4480xf32>,
      %get3A_130 = arith.constant 0 : index
      %get3A_131 = arith.constant 114 : index
      %get3A_132 = vector.load %arg3[%get3A_130, %get3A_131] : memref<16x4736xf32, #tpu.memory_space<vmem>>, vector<16x4480xf32>
      %swap3A_133 = arith.constant 0 : index
      %swap3A_134 = arith.constant 0 : index
      %swap3A_135 = arith.constant 5 : index
      %swap3A_136 = arith.constant 0 : index
      %swap3A_137 = vector.load %arg2[%swap3A_133, %swap3A_134, %swap3A_135, %swap3A_136] : memref<1x16x8x4480xf32, #tpu.memory_space<vmem>>, vector<1x16x1x4480xf32>
      %swap3A_138 = vector.shape_cast %swap3A_137 : vector<1x16x1x4480xf32> to vector<16x4480xf32>
      %swap3A_139 = vector.shape_cast %get3A_132 : vector<16x4480xf32> to vector<1x16x1x4480xf32>
      tpu.vector_store %arg2[%swap3A_133, %swap3A_134, %swap3A_135, %swap3A_136], %swap3A_139 {strides = array<i32>} : memref<1x16x8x4480xf32, #tpu.memory_space<vmem>>, vector<1x16x1x4480xf32>,
      %get3A_140 = arith.constant 0 : index
      %get3A_141 = arith.constant 113 : index
      %get3A_142 = vector.load %arg3[%get3A_140, %get3A_141] : memref<16x4736xf32, #tpu.memory_space<vmem>>, vector<16x4480xf32>
      %swap3A_143 = arith.constant 0 : index
      %swap3A_144 = arith.constant 0 : index
      %swap3A_145 = arith.constant 6 : index
      %swap3A_146 = arith.constant 0 : index
      %swap3A_147 = vector.load %arg2[%swap3A_143, %swap3A_144, %swap3A_145, %swap3A_146] : memref<1x16x8x4480xf32, #tpu.memory_space<vmem>>, vector<1x16x1x4480xf32>
      %swap3A_148 = vector.shape_cast %swap3A_147 : vector<1x16x1x4480xf32> to vector<16x4480xf32>
      %swap3A_149 = vector.shape_cast %get3A_142 : vector<16x4480xf32> to vector<1x16x1x4480xf32>
      tpu.vector_store %arg2[%swap3A_143, %swap3A_144, %swap3A_145, %swap3A_146], %swap3A_149 {strides = array<i32>} : memref<1x16x8x4480xf32, #tpu.memory_space<vmem>>, vector<1x16x1x4480xf32>,
      %get3A_150 = arith.constant 0 : index
      %get3A_151 = arith.constant 112 : index
      %get3A_152 = vector.load %arg3[%get3A_150, %get3A_151] : memref<16x4736xf32, #tpu.memory_space<vmem>>, vector<16x4480xf32>
      %swap3A_153 = arith.constant 0 : index
      %swap3A_154 = arith.constant 0 : index
      %swap3A_155 = arith.constant 7 : index
      %swap3A_156 = arith.constant 0 : index
      %swap3A_157 = vector.load %arg2[%swap3A_153, %swap3A_154, %swap3A_155, %swap3A_156] : memref<1x16x8x4480xf32, #tpu.memory_space<vmem>>, vector<1x16x1x4480xf32>
      %swap3A_158 = vector.shape_cast %swap3A_157 : vector<1x16x1x4480xf32> to vector<16x4480xf32>
      %swap3A_159 = vector.shape_cast %get3A_152 : vector<16x4480xf32> to vector<1x16x1x4480xf32>
      tpu.vector_store %arg2[%swap3A_153, %swap3A_154, %swap3A_155, %swap3A_156], %swap3A_159 {strides = array<i32>} : memref<1x16x8x4480xf32, #tpu.memory_space<vmem>>, vector<1x16x1x4480xf32>,
    } else {
    }
    %eq3A_77 = arith.constant 15 : i32
    %eq3A_78 = arith.cmpi eq, %arg0, %eq3A_77 : i32
    %convert_element_type3A_79 = arith.extui %eq3A_78 : i1 to i32
    %cond3A_80 = arith.constant 0 : i32
    %cond3A_81 = arith.cmpi ne, %convert_element_type3A_79, %cond3A_80 : i32
    scf.if %cond3A_81 {
      %get3A = arith.constant 0 : index
      %get3A_82 = arith.constant 127 : index
      %get3A_83 = vector.load %arg3[%get3A, %get3A_82] : memref<16x4736xf32, #tpu.memory_space<vmem>>, vector<16x4480xf32>
      %swap3A = arith.constant 0 : index
      %swap3A_84 = arith.constant 0 : index
      %swap3A_85 = arith.constant 0 : index
      %swap3A_86 = arith.constant 0 : index
      %swap3A_87 = vector.load %arg2[%swap3A, %swap3A_84, %swap3A_85, %swap3A_86] : memref<1x16x8x4480xf32, #tpu.memory_space<vmem>>, vector<1x16x1x4480xf32>
      %swap3A_88 = vector.shape_cast %swap3A_87 : vector<1x16x1x4480xf32> to vector<16x4480xf32>
      %swap3A_89 = vector.shape_cast %get3A_83 : vector<16x4480xf32> to vector<1x16x1x4480xf32>
      tpu.vector_store %arg2[%swap3A, %swap3A_84, %swap3A_85, %swap3A_86], %swap3A_89 {strides = array<i32>} : memref<1x16x8x4480xf32, #tpu.memory_space<vmem>>, vector<1x16x1x4480xf32>,
      %get3A_90 = arith.constant 0 : index
      %get3A_91 = arith.constant 126 : index
      %get3A_92 = vector.load %arg3[%get3A_90, %get3A_91] : memref<16x4736xf32, #tpu.memory_space<vmem>>, vector<16x4480xf32>
      %swap3A_93 = arith.constant 0 : index
      %swap3A_94 = arith.constant 0 : index
      %swap3A_95 = arith.constant 1 : index
      %swap3A_96 = arith.constant 0 : index
      %swap3A_97 = vector.load %arg2[%swap3A_93, %swap3A_94, %swap3A_95, %swap3A_96] : memref<1x16x8x4480xf32, #tpu.memory_space<vmem>>, vector<1x16x1x4480xf32>
      %swap3A_98 = vector.shape_cast %swap3A_97 : vector<1x16x1x4480xf32> to vector<16x4480xf32>
      %swap3A_99 = vector.shape_cast %get3A_92 : vector<16x4480xf32> to vector<1x16x1x4480xf32>
      tpu.vector_store %arg2[%swap3A_93, %swap3A_94, %swap3A_95, %swap3A_96], %swap3A_99 {strides = array<i32>} : memref<1x16x8x4480xf32, #tpu.memory_space<vmem>>, vector<1x16x1x4480xf32>,
      %get3A_100 = arith.constant 0 : index
      %get3A_101 = arith.constant 125 : index
      %get3A_102 = vector.load %arg3[%get3A_100, %get3A_101] : memref<16x4736xf32, #tpu.memory_space<vmem>>, vector<16x4480xf32>
      %swap3A_103 = arith.constant 0 : index
      %swap3A_104 = arith.constant 0 : index
      %swap3A_105 = arith.constant 2 : index
      %swap3A_106 = arith.constant 0 : index
      %swap3A_107 = vector.load %arg2[%swap3A_103, %swap3A_104, %swap3A_105, %swap3A_106] : memref<1x16x8x4480xf32, #tpu.memory_space<vmem>>, vector<1x16x1x4480xf32>
      %swap3A_108 = vector.shape_cast %swap3A_107 : vector<1x16x1x4480xf32> to vector<16x4480xf32>
      %swap3A_109 = vector.shape_cast %get3A_102 : vector<16x4480xf32> to vector<1x16x1x4480xf32>
      tpu.vector_store %arg2[%swap3A_103, %swap3A_104, %swap3A_105, %swap3A_106], %swap3A_109 {strides = array<i32>} : memref<1x16x8x4480xf32, #tpu.memory_space<vmem>>, vector<1x16x1x4480xf32>,
      %get3A_110 = arith.constant 0 : index
      %get3A_111 = arith.constant 124 : index
      %get3A_112 = vector.load %arg3[%get3A_110, %get3A_111] : memref<16x4736xf32, #tpu.memory_space<vmem>>, vector<16x4480xf32>
      %swap3A_113 = arith.constant 0 : index
      %swap3A_114 = arith.constant 0 : index
      %swap3A_115 = arith.constant 3 : index
      %swap3A_116 = arith.constant 0 : index
      %swap3A_117 = vector.load %arg2[%swap3A_113, %swap3A_114, %swap3A_115, %swap3A_116] : memref<1x16x8x4480xf32, #tpu.memory_space<vmem>>, vector<1x16x1x4480xf32>
      %swap3A_118 = vector.shape_cast %swap3A_117 : vector<1x16x1x4480xf32> to vector<16x4480xf32>
      %swap3A_119 = vector.shape_cast %get3A_112 : vector<16x4480xf32> to vector<1x16x1x4480xf32>
      tpu.vector_store %arg2[%swap3A_113, %swap3A_114, %swap3A_115, %swap3A_116], %swap3A_119 {strides = array<i32>} : memref<1x16x8x4480xf32, #tpu.memory_space<vmem>>, vector<1x16x1x4480xf32>,
      %get3A_120 = arith.constant 0 : index
      %get3A_121 = arith.constant 123 : index
      %get3A_122 = vector.load %arg3[%get3A_120, %get3A_121] : memref<16x4736xf32, #tpu.memory_space<vmem>>, vector<16x4480xf32>
      %swap3A_123 = arith.constant 0 : index
      %swap3A_124 = arith.constant 0 : index
      %swap3A_125 = arith.constant 4 : index
      %swap3A_126 = arith.constant 0 : index
      %swap3A_127 = vector.load %arg2[%swap3A_123, %swap3A_124, %swap3A_125, %swap3A_126] : memref<1x16x8x4480xf32, #tpu.memory_space<vmem>>, vector<1x16x1x4480xf32>
      %swap3A_128 = vector.shape_cast %swap3A_127 : vector<1x16x1x4480xf32> to vector<16x4480xf32>
      %swap3A_129 = vector.shape_cast %get3A_122 : vector<16x4480xf32> to vector<1x16x1x4480xf32>
      tpu.vector_store %arg2[%swap3A_123, %swap3A_124, %swap3A_125, %swap3A_126], %swap3A_129 {strides = array<i32>} : memref<1x16x8x4480xf32, #tpu.memory_space<vmem>>, vector<1x16x1x4480xf32>,
      %get3A_130 = arith.constant 0 : index
      %get3A_131 = arith.constant 122 : index
      %get3A_132 = vector.load %arg3[%get3A_130, %get3A_131] : memref<16x4736xf32, #tpu.memory_space<vmem>>, vector<16x4480xf32>
      %swap3A_133 = arith.constant 0 : index
      %swap3A_134 = arith.constant 0 : index
      %swap3A_135 = arith.constant 5 : index
      %swap3A_136 = arith.constant 0 : index
      %swap3A_137 = vector.load %arg2[%swap3A_133, %swap3A_134, %swap3A_135, %swap3A_136] : memref<1x16x8x4480xf32, #tpu.memory_space<vmem>>, vector<1x16x1x4480xf32>
      %swap3A_138 = vector.shape_cast %swap3A_137 : vector<1x16x1x4480xf32> to vector<16x4480xf32>
      %swap3A_139 = vector.shape_cast %get3A_132 : vector<16x4480xf32> to vector<1x16x1x4480xf32>
      tpu.vector_store %arg2[%swap3A_133, %swap3A_134, %swap3A_135, %swap3A_136], %swap3A_139 {strides = array<i32>} : memref<1x16x8x4480xf32, #tpu.memory_space<vmem>>, vector<1x16x1x4480xf32>,
      %get3A_140 = arith.constant 0 : index
      %get3A_141 = arith.constant 121 : index
      %get3A_142 = vector.load %arg3[%get3A_140, %get3A_141] : memref<16x4736xf32, #tpu.memory_space<vmem>>, vector<16x4480xf32>
      %swap3A_143 = arith.constant 0 : index
      %swap3A_144 = arith.constant 0 : index
      %swap3A_145 = arith.constant 6 : index
      %swap3A_146 = arith.constant 0 : index
      %swap3A_147 = vector.load %arg2[%swap3A_143, %swap3A_144, %swap3A_145, %swap3A_146] : memref<1x16x8x4480xf32, #tpu.memory_space<vmem>>, vector<1x16x1x4480xf32>
      %swap3A_148 = vector.shape_cast %swap3A_147 : vector<1x16x1x4480xf32> to vector<16x4480xf32>
      %swap3A_149 = vector.shape_cast %get3A_142 : vector<16x4480xf32> to vector<1x16x1x4480xf32>
      tpu.vector_store %arg2[%swap3A_143, %swap3A_144, %swap3A_145, %swap3A_146], %swap3A_149 {strides = array<i32>} : memref<1x16x8x4480xf32, #tpu.memory_space<vmem>>, vector<1x16x1x4480xf32>,
      %get3A_150 = arith.constant 0 : index
      %get3A_151 = arith.constant 120 : index
      %get3A_152 = vector.load %arg3[%get3A_150, %get3A_151] : memref<16x4736xf32, #tpu.memory_space<vmem>>, vector<16x4480xf32>
      %swap3A_153 = arith.constant 0 : index
      %swap3A_154 = arith.constant 0 : index
      %swap3A_155 = arith.constant 7 : index
      %swap3A_156 = arith.constant 0 : index
      %swap3A_157 = vector.load %arg2[%swap3A_153, %swap3A_154, %swap3A_155, %swap3A_156] : memref<1x16x8x4480xf32, #tpu.memory_space<vmem>>, vector<1x16x1x4480xf32>
      %swap3A_158 = vector.shape_cast %swap3A_157 : vector<1x16x1x4480xf32> to vector<16x4480xf32>
      %swap3A_159 = vector.shape_cast %get3A_152 : vector<16x4480xf32> to vector<1x16x1x4480xf32>
      tpu.vector_store %arg2[%swap3A_153, %swap3A_154, %swap3A_155, %swap3A_156], %swap3A_159 {strides = array<i32>} : memref<1x16x8x4480xf32, #tpu.memory_space<vmem>>, vector<1x16x1x4480xf32>,
    } else {
    }
    return
  }
  func.func @transform_0(%arg0: i32) -> (i32, i32) {
    %c0_i32 = arith.constant 0 : i32
    %c0_i32_0 = arith.constant 0 : i32
    %c0_i32_1 = arith.constant 0 : i32
    return %c0_i32, %c0_i32_0 : i32, i32
  }
  func.func @transform_1(%arg0: i32) -> (i32, i32, i32, i32) {
    %c0_i32 = arith.constant 0 : i32
    %c0_i32_0 = arith.constant 0 : i32
    %c0_i32_1 = arith.constant 0 : i32
    %c0_i32_2 = arith.constant 0 : i32
    return %arg0, %c0_i32, %c0_i32_0, %c0_i32_1 : i32, i32, i32, i32
  }
}

</mosaic_0001>

<sc_bundles>
// kernel: kernel.4.cloned.1.call-start
scs
__scs_entry_jumppad:
0x0: {  	(pc) =	sbr.rel $0x88, $3  }
0x1: {  	(tag) =	ssettag $0x0;
	lr =	simm.s32 $0x1  }
0x2: {  	[smem:$0x3FA0] =	sst lr;
	_ =	strace $0xD0000000  }
0x3: {  	_ = 	snop  }
0x4: {  	_ = 	snop  }
0x5: {  	_ = 	snop  }
0x6: {  	_ = 	snop  }
0x7: {  	_ = 	snop  }
__scs_overlays_trampoline_lowered:
0x8: {  	[smem:$0x3FAF] =	sst s0  }
0x9: {  	[smem:$0x3FB0] =	sst s1  }
0xa: {  	[smem:$0x3FB1] =	sst s2  }
0xb: {  	[smem:$0x3FB2] =	sst s3  }
0xc: {  	[smem:$0x3FB3] =	sst s4  }
0xd: {  	[smem:$0x3FB4] =	sst s5  }
0xe: {  	[smem:$0x3FB5] =	sst s6  }
0xf: {  	[smem:$0x3FB6] =	sst s7  }
0x10: {  	[smem:$0x3FB7] =	sst s8  }
0x11: {  	[smem:$0x3FB8] =	sst s9;
	s0 =	simm.s32 @!p0 $0x0  }
0x12: {  	s1 =	sld [smem:$0x3F9E];
	s0 =	simm.s32 @p0 $0x1  }
0x13: {  	[smem:$0x3FB9] =	sst s0;
	s0 =	simm.s32 @!p1 $0x0  }
0x14: {  	s2 =	sld [smem:$0x3F9D];
	s0 =	simm.s32 @p1 $0x1  }
0x15: {  	[smem:$0x3FBA] =	sst s0;
	s0 =	simm.s32 @!p2 $0x0  }
0x16: {  	s3 =	sld [smem:$0x3FDB];
	s0 =	simm.s32 @p2 $0x1  }
0x17: {  	s4 =	simm.s32 $0x1BF5;
	[smem:$0x3FBC] =	sst s0  }
0x18: {  	s0 =	sld [smem:$0x3F9F];
	_ =	swait.ge [sflag:s4], $0x0  }
0x19: {  	s7 =	sld [smem:$0x3FA0]  }
0x1a: {  	s8 =	sadd.s32 $0xFFFFE003, lr  }
0x1b: {  	s9 =	sadd.s32 $0xFFFFFEF7, lr;
	s5 =	simm.s32 $0xFFFFFFFF;
	p2 =	slt.u32 s8, $0xFFFFF086  }
0x1c: {  	p1 =	slt.u32 s9, $0xF7A;
	s5 =	simm.s32 @!p2 $0x0  }
0x1d: {  	s5 =	simm.s32 @p1 $0x1;
	p0 =	seq.s32 s7, s2  }
0x1e: {  	s7 =	smul.u32 @!p0 $0xF7A, s2;
	p2 =	seq.s32 @!p0 s5, $0x0  }
0x1f: {  	s9 =	smul.u32 $0xF7A, s1;
	s8 =	simm.s32 @!p0 $0x1BF5;
	p2 =	por !p2, p0  }
0x20: {  	[sflag:s8] =	ssyncset.s32 @!p0 $0xFFFFF086;
	s6 =	sadd.s32 @!p0 s3, s7;
	s7 =	simm.s32 @!p0 $0x108  }
0x21: {  	s3 =	sadd.s32 s3, s9;
	s6 =	sadd.s32 @!p0 $0x88, s6;
	s7 =	simm.s32 @p2 $0x1082  }
0x22: {  	[simem:s7], [sflag:s8] =	dma.local @!p0 [hbm:s6], $0xF7A  }
0x23: {  	s9 =	sor.u32 $0xD0000000, s2;
	s6 =	simm.s32 $0x108;
	_ =	swait.ge @!p0 [sflag:s8], $0x0  }
0x24: {  	s3 =	sadd.s32 $0x88, s3;
	s6 =	simm.s32 @!p1 $0x1082;
	[sflag:s4] =	ssyncset.s32 $0xFFFFF086  }
0x25: {  	[simem:s6], [sflag:s4] =	dma.local [hbm:s3], $0xF7A  }
0x26: {  	[smem:$0x3FA0] =	sst s1;
	(tag) =	ssettag s2;
	_ =	strace s9  }
0x27: {  	s1 =	sld [smem:$0x3FB0]  }
0x28: {  	s2 =	sld [smem:$0x3FB1]  }
0x29: {  	s4 =	sld [smem:$0x3FB3]  }
0x2a: {  	p0 =	seq.s32 s5, $0x0;
	s5 =	sld [smem:$0x3FB4]  }
0x2b: {  	s6 =	sld [smem:$0x3FB5]  }
0x2c: {  	s7 =	sld [smem:$0x3FB6]  }
0x2d: {  	s3 =	simm.s32 $0x108;
	s8 =	sld [smem:$0x3FB7]  }
0x2e: {  	s3 =	simm.s32 @!p0 $0x1082;
	s9 =	sld [smem:$0x3FB8]  }
0x2f: {  	lr =	sadd.s32 s0, s3;
	s0 =	sld [smem:$0x3FAF]  }
0x30: {  	s3 =	sld [smem:$0x3FB2]  }
0x31: {  	[smem:$0x3FBB] =	sst s10  }
0x32: {  	s10 =	sld [smem:$0x3FB9];
	_ =	sdelay $0x3  }
0x33: {  	p0 =	seq.s32 s10, $0x1;
	s10 =	sld [smem:$0x3FBB];
	_ =	sdelay $0x3  }
0x34: {  	[smem:$0x3FBB] =	sst s10  }
0x35: {  	s10 =	sld [smem:$0x3FBA];
	_ =	sdelay $0x3  }
0x36: {  	p1 =	seq.s32 s10, $0x1;
	s10 =	sld [smem:$0x3FBB];
	_ =	sdelay $0x3  }
0x37: {  	[smem:$0x3FBB] =	sst s10  }
0x38: {  	s10 =	sld [smem:$0x3FBC]  }
0x39: {  	_ = 	snop;
	(pc) =	sbr.ind lr, $3  }
0x3a: {  	_ = 	snop  }
0x3b: {  	_ = 	snop  }
0x3c: {  	p2 =	seq.s32 s10, $0x1;
	s10 =	sld [smem:$0x3FBB]  }
0x3d: {  	_ =	shalt  }
0x3e: {  	_ =	shalt  }
0x3f: {  	_ =	shalt  }
0x40: {  	_ =	shalt  }
0x41: {  	_ =	shalt  }
0x42: {  	_ =	shalt  }
0x43: {  	_ =	shalt  }
0x44: {  	_ =	shalt  }
0x45: {  	_ =	shalt  }
0x46: {  	_ =	shalt  }
0x47: {  	_ =	shalt  }
0x48: {  	_ =	shalt  }
0x49: {  	_ =	shalt  }
0x4a: {  	_ =	shalt  }
0x4b: {  	_ =	shalt  }
0x4c: {  	_ =	shalt  }
0x4d: {  	_ =	shalt  }
0x4e: {  	_ =	shalt  }
0x4f: {  	_ =	shalt  }
0x50: {  	_ =	shalt  }
0x51: {  	_ =	shalt  }
0x52: {  	_ =	shalt  }
0x53: {  	_ =	shalt  }
0x54: {  	_ =	shalt  }
0x55: {  	_ =	shalt  }
0x56: {  	_ =	shalt  }
0x57: {  	_ =	shalt  }
0x58: {  	_ =	shalt  }
0x59: {  	_ =	shalt  }
0x5a: {  	_ =	shalt  }
0x5b: {  	_ =	shalt  }
0x5c: {  	_ =	shalt  }
0x5d: {  	_ =	shalt  }
0x5e: {  	_ =	shalt  }
0x5f: {  	_ =	shalt  }
0x60: {  	_ =	shalt  }
0x61: {  	_ =	shalt  }
0x62: {  	_ =	shalt  }
0x63: {  	_ =	shalt  }
0x64: {  	_ =	shalt  }
0x65: {  	_ =	shalt  }
0x66: {  	_ =	shalt  }
0x67: {  	_ =	shalt  }
0x68: {  	_ =	shalt  }
0x69: {  	_ =	shalt  }
0x6a: {  	_ =	shalt  }
0x6b: {  	_ =	shalt  }
0x6c: {  	_ =	shalt  }
0x6d: {  	_ =	shalt  }
0x6e: {  	_ =	shalt  }
0x6f: {  	_ =	shalt  }
0x70: {  	_ =	shalt  }
0x71: {  	_ =	shalt  }
0x72: {  	_ =	shalt  }
0x73: {  	_ =	shalt  }
0x74: {  	_ =	shalt  }
0x75: {  	_ =	shalt  }
0x76: {  	_ =	shalt  }
0x77: {  	_ =	shalt  }
0x78: {  	_ =	shalt  }
0x79: {  	_ =	shalt  }
0x7a: {  	_ =	shalt  }
0x7b: {  	_ =	shalt  }
0x7c: {  	_ =	shalt  }
0x7d: {  	_ =	shalt  }
0x7e: {  	_ =	shalt  }
0x7f: {  	_ =	shalt  }
0x80: {  	_ =	shalt  }
0x81: {  	_ =	shalt  }
0x82: {  	_ =	shalt  }
0x83: {  	_ =	shalt  }
0x84: {  	_ =	shalt  }
0x85: {  	_ =	shalt  }
0x86: {  	_ =	shalt  }
0x87: {  	_ =	shalt  }
.Lfunc_end0:
.L_simem_size_0:
called_computation_lowered:
.L_overlay_start_0:
0x88: {  	s2 =	sld [smem:$0x3FD9]  }
0x89: {  	s3 =	sld [smem:$0x3FFE];
	_ =	sdelay $0x1  }
0x8a: {  	s1 =	srdreg.scid  }
0x8b: {  	s0 =	sand.u32 $0x1, s1  }
0x8c: {  	s17 =	sshll.u32 s0, $0xA;
	s2 =	sadd.s32 s3, s2  }
0x8d: {  	s2 =	sadd.s32 s2, s17  }
0x8e: {  	[smem:$0x3FC7] =	sst s2  }
0x8f: {  	_ = 	snop  }
0x90: {  	s2 =	sld [smem:$0x3FD0];
	(tm) =	ssettm $0x1  }
0x91: {  	s18 =	sld [smem:$0x3FFB];
	_ =	sdelay $0x3  }
0x92: {  	_ =	strace s18  }
0x93: {  	s3 =	sld [smem:$0x3FFC];
	_ =	sdelay $0x3  }
0x94: {  	_ =	strace s3  }
0x95: {  	s3 =	sld [smem:$0x3FFD];
	_ =	sdelay $0x3  }
0x96: {  	_ =	strace s3  }
0x97: {  	_ =	strace $0x8FFFFFFF  }
0x98: {  	s19 =	sld [smem:$0x3FDB];
	_ =	sdelay $0x1  }
0x99: {  	s4 =	simm.s32 $_scs_section_size  }
0x9a: {  	s5 =	simm.s32 $_size__tile_overlayer_lowered;
	s6 =	simm.s32 $_tile_overlayer_lowered  }
0x9b: {  	s22 =	simm.s32 $0x1BFF;
	s21 =	sshll.u32 s6, $0x1;
	s3 =	sadd.s32 s4, s19  }
0x9c: {  	s7 =	simm.s32 $0x0;
	s20 =	sshll.u32 s5, $0x1;
	s5 =	sadd.s32 s21, s3  }
0x9d: {  	[timem:s7], [sflag:s22] =	dma.local [hbm:s5], s20  }
0x9e: {  	_ =	swait.ge [sflag:s22], s20  }
0x9f: {  	s4 =	ssub.s32 $0x0, s20;
	[sflag:s22] =	ssyncset.done $0x0  }
0xa0: {  	[sflag:s22] =	ssyncadd.s32 s4;
	_ =	sdelay $0x1  }
0xa1: {  	s23 =	simm.s32 $0x1B8B  }
0xa2: {  	_ =	swait.ge [sflag:s23], $0x1  }
0xa3: {  	[sflag:s23] =	ssyncset.done $0x0  }
0xa4: {  	s25 =	simm.s32 $0x1B8E;
	s24 =	sld [smem:$0x3FFE];
	[sflag:s23] =	ssyncadd.s32 $0xFFFFFFFF  }
0xa5: {  	s26 =	simm.s32 $execute0_lowered;
	[smem:$0x3FD2] =	sst s25  }
0xa6: {  	s5 =	sshll.u32 s26, $0x1;
	_ =	strace $0x80000046;
	[dreg:$0x1] =	wrdreg $0xFFFFFFFF  }
0xa7: {  	s28 =	simm.s32 $_size_execute0_lowered;
	s3 =	sadd.s32 s3, s5;
	[dreg:$0x0] =	wrdreg $0x0  }
0xa8: {  	s5 =	sshll.u32 s28, $0x1;
	[dreg:$0x2] =	wrdreg s3  }
0xa9: {  	[dreg:$0x3] =	wrdreg s5  }
0xaa: {  	[dreg:$0x4] =	wrdreg $0xC0  }
0xab: {  	_ =	task [dreg:s7], $0x5FFFF  }
0xac: {  	[dreg:$0x1] =	wrdreg $0xFFFFFFFF  }
0xad: {  	[dreg:$0x0] =	wrdreg $0x60  }
0xae: {  	[dreg:$0x2] =	wrdreg s24  }
0xaf: {  	[dreg:$0x3] =	wrdreg s2  }
0xb0: {  	[dreg:$0x4] =	wrdreg $0x9  }
0xb1: {  	_ =	task.clear_ibuf [dreg:s7], $0x5FFFF;
	_ =	strace $0x90000046  }
0xb2: {  	s29 =	simm.s32 $0x9;
	_ =	strace $0x80000048  }
0xb3: {  	_ =	swait.ge [sflag:s29], $0x1  }
0xb4: {  	[sflag:s29] =	ssyncadd.s32 $0xFFFFFFFF  }
0xb5: {  	_ =	strace $0x90000048  }
0xb6: {  	_ =	sfence  }
0xb7: {  	s30 =	sld [smem:$0x0];
	_ =	sdelay $0x2  }
0xb8: {  	s31 =	sshll.u32 s1, $0xD;
	s1 =	sshrl.u32 s1, $0x2  }
0xb9: {  	s3 =	sand.u32 $0x4000, s31;
	s1 =	sadd.s32 s1, s30  }
0xba: {  	s0 =	sor.u32 s3, s0;
	s1 =	sshll.u32 s1, $0x11  }
0xbb: {  	s0 =	sor.u32 s1, s0  }
0xbc: {  	s0 =	sadd.s32 $0x8F2B, s0  }
0xbd: {  	[sflag:s0] =	ssyncadd.remote.s32 $0x1  }
0xbe: {  	_ =	sfence.sel $0xFFFF  }
0xbf: {  	[dreg:$0x0] =	wrdreg $0xFFFFFFFF;
	(pc) =	sbr.abs _section_cstart, $3  }
0xc0: {  	[dreg:$0x1] =	wrdreg $0xFFFFFFFF  }
0xc1: {  	_ =	task.clear_ibuf [dreg:s7], $0x2FFFF;
	_ =	strace $0x9FFFFFFF  }
0xc2: {  	(tm) =	ssettm $0x7FFFFFFF  }
0xc3: {  	_ =	shalt  }
tec
execute0_lowered:
.L_overlay_start_1:
0x0: {  	(tag) =	ssettag $0x1  }
0x1: {  	s0 =	srdreg.scid;
	s2 =	rddreg [dreg:$0x0]  }
0x2: {  	s5 =	rddreg [dreg:$0x1];
	s7 =	simm.s32 $0x0;
	s13 =	sand.u32 $0x1, s0  }
0x3: {  	s0 =	stileid.u32;
	[smem:$0x7FF] =	sst s7;
	s1 =	sshll.u32 s13, $0x4  }
0x4: {  	s18 =	sadd.s32 $0x600, s2;
	s16 =	sshll.u32 s0, $0x6;
	s3 =	sor.u32 s0, s1  }
0x5: {  	s1 =	rddreg [dreg:$0x2];
	_ =	strace $0x80000047;
	s15 =	sshll.u32 s3, $0x3  }
0x6: {  	s30 =	sshll.u32 s3, $0x9;
	s3 =	sshll.u32 s3, $0xE;
	s29 =	sand.u32 $0x8, s15  }
0x7: {  	s14 =	ssub.s32 $0x0, s30;
	s31 =	ssub.s32 $0xE, s15;
	s3 =	sadd.s32 s5, s3  }
0x8: {  	s9 =	ssub.s32 $0xD, s15;
	s21 =	ssub.s32 $0xC, s15;
	s24 =	ssub.s32 $0xA, s15  }
0x9: {  	s4 =	sxor.u32 $0xF, s29;
	s7 =	sand.u32 $0xE, s31;
	s12 =	sand.u32 $0xD, s9  }
0xa: {  	s22 =	sand.u32 $0xC, s21;
	s21 =	simm.s32 $0x80000;
	s6 =	sshll.u32 s4, $0x6  }
0xb: {  	s4 =	smul.u32 $0x8C000, s4;
	s9 =	sshll.u32 s12, $0x6;
	s6 =	ssub.s32 s14, s6  }
0xc: {  	s19 =	ssub.s32 s14, s9;
	s9 =	sshll.u32 s22, $0x6;
	s6 =	sadd.s32 $0x3FC0, s6  }
0xd: {  	s10 =	smul.u32 $0x8C000, s7;
	s9 =	ssub.s32 s14, s9;
	s6 =	sand.u32 $0xFFFFFC00, s6  }
0xe: {  	s20 =	smul.u32 $0x8C000, s12;
	s9 =	sadd.s32 $0x3F00, s9;
	s4 =	sadd.s32 s4, s6  }
0xf: {  	s6 =	sshll.u32 s7, $0x6;
	s7 =	sadd.s32 $0x3F40, s19;
	s9 =	sand.u32 $0xFFFFFC00, s9  }
0x10: {  	s19 =	ssub.s32 $0x9, s15;
	s4 =	sshrl.u32 s4, $0x3;
	s8 =	ssub.s32 s14, s6  }
0x11: {  	s7 =	sand.u32 $0xFFFFFC00, s7;
	s19 =	sand.u32 $0x9, s19;
	s2 =	sadd.s32 s18, s4  }
0x12: {  	s11 =	sadd.s32 $0x3F80, s8;
	s4 =	sor.u32 $0x1C01, s16;
	s7 =	sadd.s32 s20, s7  }
0x13: {  	s16 =	sand.u32 $0xA, s24;
	s25 =	sshll.u32 s19, $0x6;
	s19 =	smul.u32 $0x8C000, s19  }
0x14: {  	s8 =	sand.u32 $0xFFFFFC00, s11;
	s7 =	sshrl.u32 s7, $0x3;
	s11 =	smul.u32 $0x8C000, s22  }
0x15: {  	s22 =	simm.s32 $0x1;
	s17 =	sadd.s32 s10, s8;
	s10 =	ssub.s32 $0xB, s15  }
0x16: {  	s7 =	sadd.s32 s18, s7;
	s8 =	sadd.s32 $0x1000, s3;
	s15 =	ssub.s32 $0x8, s15  }
0x17: {  	s6 =	sshrl.u32 s17, $0x3;
	s10 =	sand.u32 $0xB, s10;
	s9 =	sadd.s32 s11, s9  }
0x18: {  	s17 =	sshll.u32 s16, $0x6;
	s16 =	smul.u32 $0x8C000, s16;
	s15 =	sand.u32 $0x8, s15  }
0x19: {  	s5 =	sadd.s32 s18, s6;
	s6 =	sadd.s32 $0x800, s3;
	s12 =	sshll.u32 s10, $0x6  }
0x1a: {  	s10 =	smul.u32 $0x8C000, s10;
	s9 =	sshrl.u32 s9, $0x3;
	s17 =	ssub.s32 s14, s17  }
0x1b: {  	s20 =	sshll.u32 s15, $0x6;
	s26 =	smul.u32 $0x8C000, s15;
	s15 =	sadd.s32 $0x2800, s3  }
0x1c: {  	s12 =	ssub.s32 s14, s12;
	s9 =	sadd.s32 s18, s9;
	s17 =	sadd.s32 $0x3E80, s17  }
0x1d: {  	s23 =	sadd.s32 $0x3EC0, s12;
	s12 =	sadd.s32 $0x2000, s3;
	s17 =	sand.u32 $0xFFFFFC00, s17  }
0x1e: {  	s11 =	sand.u32 $0xFFFFFC00, s23;
	s16 =	sadd.s32 s16, s17;
	s17 =	ssub.s32 s14, s25  }
0x1f: {  	s14 =	ssub.s32 s14, s20;
	s20 =	simm.s32 $0x80;
	s23 =	simm.s32 $0x1180  }
0x20: {  	s11 =	sadd.s32 s10, s11;
	s10 =	sadd.s32 $0x1800, s3;
	s16 =	sshrl.u32 s16, $0x3  }
0x21: {  	[hbm:s3@s21], [sflag:s4] =	dma.strided [hbm:s2@s23], $0x8000, s20, $0x10   }
0x22: {  	s17 =	sadd.s32 $0x3E40, s17;
	s28 =	sadd.s32 $0x3E00, s14;
	s11 =	sshrl.u32 s11, $0x3  }
0x23: {  	s17 =	sand.u32 $0xFFFFFC00, s17;
	s14 =	sadd.s32 s18, s16;
	s30 =	sand.u32 $0xFFFFFC00, s28  }
0x24: {  	[hbm:s6@s21], [sflag:s4] =	dma.strided [hbm:s5@s23], $0x8000, s20, $0x10   }
0x25: {  	s11 =	sadd.s32 s18, s11;
	s29 =	sadd.s32 s19, s17;
	s31 =	sadd.s32 s26, s30  }
0x26: {  	[hbm:s8@s21], [sflag:s4] =	dma.strided [hbm:s7@s23], $0x8000, s20, $0x10   }
0x27: {  	s17 =	sadd.s32 $0x3000, s3;
	s16 =	sshrl.u32 s29, $0x3;
	s19 =	sshrl.u32 s31, $0x3  }
0x28: {  	[hbm:s10@s21], [sflag:s4] =	dma.strided [hbm:s9@s23], $0x8000, s20, $0x10   }
0x29: {  	s16 =	sadd.s32 s18, s16;
	s18 =	sadd.s32 s18, s19;
	s19 =	sadd.s32 $0x3800, s3  }
0x2a: {  	[hbm:s12@s21], [sflag:s4] =	dma.strided [hbm:s11@s23], $0x8000, s20, $0x10   }
0x2b: {  	[hbm:s15@s21], [sflag:s4] =	dma.strided [hbm:s14@s23], $0x8000, s20, $0x10   }
0x2c: {  	[hbm:s17@s21], [sflag:s4] =	dma.strided [hbm:s16@s23], $0x8000, s20, $0x10   }
0x2d: {  	[hbm:s19@s21], [sflag:s4] =	dma.strided [hbm:s18@s23], $0x8000, s20, $0x10   }
0x2e: {  	_ =	swait.ge [sflag:s22], $0x8000  }
0x2f: {  	[sflag:s22] =	ssyncset.done $0x0  }
0x30: {  	[sflag:s22] =	ssyncadd.s32 $0xFFFF8000  }
0x31: {  	_ =	swait.ge [sflag:s22], $0x8000  }
0x32: {  	[sflag:s22] =	ssyncset.done $0x0  }
0x33: {  	[sflag:s22] =	ssyncadd.s32 $0xFFFF8000  }
0x34: {  	_ =	swait.ge [sflag:s22], $0x8000  }
0x35: {  	[sflag:s22] =	ssyncset.done $0x0  }
0x36: {  	[sflag:s22] =	ssyncadd.s32 $0xFFFF8000  }
0x37: {  	_ =	swait.ge [sflag:s22], $0x8000  }
0x38: {  	[sflag:s22] =	ssyncset.done $0x0  }
0x39: {  	[sflag:s22] =	ssyncadd.s32 $0xFFFF8000  }
0x3a: {  	_ =	swait.ge [sflag:s22], $0x8000  }
0x3b: {  	s13 =	ssub.s32 $0x2, s13;
	[sflag:s22] =	ssyncset.done $0x0  }
0x3c: {  	s24 =	sshrl.u32 s13, $0x1;
	[sflag:s22] =	ssyncadd.s32 $0xFFFF8000  }
0x3d: {  	s13 =	ssub.s32 s13, s24;
	_ =	swait.ge [sflag:s22], $0x8000  }
0x3e: {  	s13 =	smax.u32 s13, $0x1;
	[sflag:s22] =	ssyncset.done $0x0  }
0x3f: {  	p0 =	sne.s32 s13, $0x1;
	[sflag:s22] =	ssyncadd.s32 $0xFFFF8000  }
.Ltmp0:
0x40: {  	_ =	swait.ge [sflag:s22], $0x8000;
	(pc) =	sbr.rel @!p0 .LBB2_2-.Ltmp0, $4  }
0x41: {  	[sflag:s22] =	ssyncset.done $0x0  }
0x42: {  	[sflag:s22] =	ssyncadd.s32 $0xFFFF8000  }
0x43: {  	_ =	swait.ge [sflag:s22], $0x8000  }
0x44: {  	s13 =	sadd.s32 $0xFFFFFFFF, s13;
	[sflag:s22] =	ssyncset.done $0x0  }
.LBB2_1:
0x45: {  	p0 =	sne.s32 s13, $0x1;
	s13 =	sadd.s32 $0xFFFFFFFF, s13;
	[sflag:s22] =	ssyncadd.s32 $0xFFFF8000  }
0x46: {  	[hbm:s3@s21], [sflag:s4] =	dma.strided [hbm:s2@s23], $0x8000, s20, $0x10   }
0x47: {  	[hbm:s6@s21], [sflag:s4] =	dma.strided [hbm:s5@s23], $0x8000, s20, $0x10   }
0x48: {  	[hbm:s8@s21], [sflag:s4] =	dma.strided [hbm:s7@s23], $0x8000, s20, $0x10   }
0x49: {  	[hbm:s10@s21], [sflag:s4] =	dma.strided [hbm:s9@s23], $0x8000, s20, $0x10   }
0x4a: {  	[hbm:s12@s21], [sflag:s4] =	dma.strided [hbm:s11@s23], $0x8000, s20, $0x10   }
0x4b: {  	[hbm:s15@s21], [sflag:s4] =	dma.strided [hbm:s14@s23], $0x8000, s20, $0x10   }
0x4c: {  	[hbm:s17@s21], [sflag:s4] =	dma.strided [hbm:s16@s23], $0x8000, s20, $0x10   }
0x4d: {  	[hbm:s19@s21], [sflag:s4] =	dma.strided [hbm:s18@s23], $0x8000, s20, $0x10   }
0x4e: {  	_ =	swait.ge [sflag:s22], $0x8000  }
0x4f: {  	[sflag:s22] =	ssyncset.done $0x0  }
0x50: {  	[sflag:s22] =	ssyncadd.s32 $0xFFFF8000  }
0x51: {  	_ =	swait.ge [sflag:s22], $0x8000  }
0x52: {  	[sflag:s22] =	ssyncset.done $0x0  }
0x53: {  	[sflag:s22] =	ssyncadd.s32 $0xFFFF8000  }
0x54: {  	_ =	swait.ge [sflag:s22], $0x8000  }
0x55: {  	[sflag:s22] =	ssyncset.done $0x0  }
0x56: {  	[sflag:s22] =	ssyncadd.s32 $0xFFFF8000  }
0x57: {  	_ =	swait.ge [sflag:s22], $0x8000  }
0x58: {  	[sflag:s22] =	ssyncset.done $0x0  }
0x59: {  	[sflag:s22] =	ssyncadd.s32 $0xFFFF8000  }
0x5a: {  	_ =	swait.ge [sflag:s22], $0x8000  }
0x5b: {  	[sflag:s22] =	ssyncset.done $0x0  }
0x5c: {  	[sflag:s22] =	ssyncadd.s32 $0xFFFF8000  }
0x5d: {  	_ =	swait.ge [sflag:s22], $0x8000  }
0x5e: {  	[sflag:s22] =	ssyncset.done $0x0  }
0x5f: {  	[sflag:s22] =	ssyncadd.s32 $0xFFFF8000  }
.Ltmp1:
0x60: {  	_ =	swait.ge [sflag:s22], $0x8000;
	(pc) =	sbr.rel @p0 .LBB2_1-.Ltmp1, $4  }
0x61: {  	[sflag:s22] =	ssyncset.done $0x0  }
0x62: {  	[sflag:s22] =	ssyncadd.s32 $0xFFFF8000  }
0x63: {  	_ =	swait.ge [sflag:s22], $0x8000  }
0x64: {  	[sflag:s22] =	ssyncset.done $0x0  }
.LBB2_2:
0x65: {  	[sflag:s22] =	ssyncadd.s32 $0xFFFF8000  }
0x66: {  	_ =	sfence.sel $0x180000  }
0x67: {  	[bflag:$0x0] =	sbarrier.arrive $0xFFFF  }
0x68: {  	p0 =	sne.s32 s0, $0x0;
	_ =	strace $0x90000047  }
0x69: {  	s0 =	sadd.s32 @!p0 $0x100000, s1;
	[bflag:$0x2] =	sbarrier.arrive $0xFFFF  }
0x6a: {  	[sflag:s0] =	ssyncadd.tile.s32 @!p0 $0x1;
	_ =	shalt  }
.Lfunc_end2:
_tile_overlayer_lowered:
.L_overlay_start_2:
0x6b: {  	(tag) =	ssettag $0x2  }
0x6c: {  	s0 =	rddreg [dreg:$0x0];
	s2 =	stileid.u32  }
0x6d: {  	s1 =	rddreg [dreg:$0x1];
	p0 =	sne.s32 s2, $0x0  }
0x6e: {  	s3 =	rddreg [dreg:$0x2];
	[bflag:$0x3] =	sbarrier.arrive $0xFFFF;
	s2 =	simm.s32 @!p0 $0x1C02  }
0x6f: {  	[timem:s3], [sflag:s2] =	dma.local @!p0 [hbm:s0], s1  }
0x70: {  	s0 =	simm.s32 @!p0 $0x2  }
0x71: {  	_ =	swait.ge @!p0 [sflag:s0], s1  }
0x72: {  	s1 =	ssub.s32 @!p0 $0x0, s1;
	[sflag:s0] =	ssyncset.done @!p0 $0x0  }
0x73: {  	[sflag:s0] =	ssyncadd.s32 @!p0 s1  }
0x74: {  	[bflag:$0x3] =	sbarrier.arrive $0xFFFF  }
0x75: {  	_ =	shalt  }

</sc_bundles>
